<compile_context>
chip_gen: v7x
topology: tpu7x:2x2x1
jax: 0.10.2.dev20260603
libtpu: 0.0.44.dev20260713+nightly
codegen_flags: <defaults>
</compile_context>

<pallas_src>
import functools

import jax
import jax.numpy as jnp
from jax import lax
from jax.experimental import pallas as pl
from jax.experimental.pallas import tpu as pltpu
from jax.experimental.pallas import tpu_sc as plsc

_K = 16
_RB = 256
_CH = 128


def _batcher_pairs(n):
    pairs = []
    p = 1
    while p < n:
        k = p
        while k >= 1:
            for j in range(k % p, n - k, 2 * k):
                for i in range(0, min(k, n - j - k)):
                    if (i + j) // (2 * p) == (i + j + k) // (2 * p):
                        pairs.append((i + j, i + j + k))
            k //= 2
        p *= 2
    return pairs


_PAIRS = _batcher_pairs(16)


def _topk_body(a_ref, b_ref, bt_ref, idx_ref, s_ref):
    a = a_ref[0]
    b = b_ref[0]
    bt = bt_ref[0]
    L = b.shape[0]
    G = L // 128
    inner = lax.dot_general(
        a, b, (((1,), (1,)), ((), ())),
        preferred_element_type=jnp.float32,
    )
    sqa = jnp.sum(a * a, axis=1, keepdims=True)
    sqb = jnp.sum(bt * bt, axis=0, keepdims=True)
    s_ref[...] = (sqa + sqb) - 2.0 * inner

    base = pl.program_id(0) * L
    lane = lax.broadcasted_iota(jnp.int32, (8, 128), 1)
    big = jnp.int32(2 * L)

    def slab(rs, carry):
        r0 = rs * 8
        sl = s_ref[pl.ds(r0, 8), :]
        v = [sl[:, g * 128:(g + 1) * 128] for g in range(G)]
        i = [lane + g * 128 for g in range(G)]
        for lo, hi in _PAIRS:
            m = (v[hi] < v[lo]) | ((v[hi] == v[lo]) & (i[hi] < i[lo]))
            vlo = jnp.where(m, v[hi], v[lo])
            vhi = jnp.where(m, v[lo], v[hi])
            ilo = jnp.where(m, i[hi], i[lo])
            ihi = jnp.where(m, i[lo], i[hi])
            v[lo], v[hi], i[lo], i[hi] = vlo, vhi, ilo, ihi
        for kk in range(_K):
            mn = jnp.min(v[0], axis=1, keepdims=True)
            ismin = v[0] == mn
            am = jnp.min(jnp.where(ismin, i[0], big), axis=1, keepdims=True)
            idx_ref[0, pl.ds(r0, 8), kk:kk + 1] = am + base
            if kk < _K - 1:
                iswin = ismin & (i[0] == am)
                for g in range(_K - 1 - kk):
                    v[g] = jnp.where(iswin, v[g + 1], v[g])
                    i[g] = jnp.where(iswin, i[g + 1], i[g])
        return carry

    lax.fori_loop(0, _RB // 8, slab, 0)


def _topk_indices(coords, interpret=False):
    N, L, D = coords.shape
    coords_t = coords.transpose(0, 2, 1)
    return pl.pallas_call(
        _topk_body,
        grid=(N, L // _RB),
        in_specs=[
            pl.BlockSpec((1, _RB, D), lambda n, r: (n, r, 0)),
            pl.BlockSpec((1, L, D), lambda n, r: (n, 0, 0)),
            pl.BlockSpec((1, D, L), lambda n, r: (n, 0, 0)),
        ],
        out_specs=pl.BlockSpec((1, _RB, _K), lambda n, r: (n, r, 0)),
        out_shape=jax.ShapeDtypeStruct((N, L, _K), jnp.int32),
        scratch_shapes=[pltpu.VMEM((_RB, L), jnp.float32)],
        interpret=interpret,
    )(coords, coords, coords_t)


def _sc_gather(table, idx2d):
    V, D = table.shape
    n_rows, ch = idx2d.shape
    B = n_rows * ch
    info = plsc.get_sparse_core_info()
    NC, NS = info.num_cores, info.num_subcores
    NW = NC * NS
    rows_per_w = n_rows // NW
    mesh = plsc.VectorSubcoreMesh(core_axis_name="c", subcore_axis_name="s")

    @functools.partial(
        pl.kernel,
        mesh=mesh,
        out_type=jax.ShapeDtypeStruct((B, D), jnp.float32),
        scratch_types=[
            pltpu.VMEM((rows_per_w, ch), jnp.int32),
            pltpu.VMEM((ch, D), jnp.float32),
            pltpu.VMEM((ch, D), jnp.float32),
            pltpu.SemaphoreType.DMA,
            pltpu.SemaphoreType.DMA,
        ],
    )
    def gather_kernel(table_hbm, idx_hbm, out_hbm, idx_v, buf0, buf1, sem0, sem1):
        wid = lax.axis_index("s") * NC + lax.axis_index("c")
        ibase = wid * rows_per_w
        pltpu.sync_copy(idx_hbm.at[pl.ds(ibase, rows_per_w)], idx_v)
        obase = ibase * ch

        def chunk(c, buf, sem):
            pltpu.async_copy(table_hbm.at[idx_v.at[c]], buf, sem).wait()
            pltpu.sync_copy(buf, out_hbm.at[pl.ds(obase + c * ch, ch)])

        def body(c2, _):
            chunk(2 * c2, buf0, sem0)
            chunk(2 * c2 + 1, buf1, sem1)
            return 0

        lax.fori_loop(0, rows_per_w // 2, body, 0)

    return gather_kernel(table, idx2d)


def kernel(coords, features):
    N, L, D = features.shape
    idx = _topk_indices(coords)
    table = features.reshape(N * L, D)
    idx2d = idx.reshape((N * L * _K) // _CH, _CH)
    out = _sc_gather(table, idx2d)
    return out.reshape(N * L, _K, D)

# --- scband reference (transcript-rebuilt; emitter-appended) ---
"""Pipeline reference for scband-nearest-neighbor-cluster-70394513981911 (READ-ONLY COPY).

The authoritative reference and input builder live on the scoring server;
editing this copy changes nothing except your own understanding.
"""

import jax, jax.numpy as jnp
import numpy as np


def setup_inputs(seed: int = 0) -> dict:
    key = jax.random.key(seed)
    k1, k2 = jax.random.split(key)
    coords = jax.random.normal(k1, (8, 2048, 128), dtype=jnp.float32)
    features = jax.random.normal(k2, (8, 2048, 128), dtype=jnp.float32)
    return {"coords": coords, "features": features}


def reference(coords, features):
    # Faithful translation of NearestNeighborCluster.forward with k=16.
    # torch_cluster.knn_graph(coords, k, batch=batch_idx, loop=True) builds,
    # independently for each batch element (batch_idx groups points by row of N),
    # the k nearest neighbors of every point INCLUDING itself (loop=True).
    # The module then gathers neighbor features, producing [N*L, k, D].
    k = 16
    N, L, Dc = coords.shape
    D = features.shape[-1]
    # Batched pairwise squared euclidean distances within each batch element.
    sq = jnp.sum(coords * coords, axis=-1)  # [N, L]
    inner = jnp.einsum('nld,nmd->nlm', coords, coords)  # [N, L, L]
    d2 = sq[:, :, None] + sq[:, None, :] - 2.0 * inner  # [N, L, L]
    # k nearest (smallest distance) -> top_k of negated distances.
    # Self-distance is 0 (minimal), so the self-loop is naturally included.
    _, idx = jax.lax.top_k(-d2, k)  # [N, L, k] neighbor indices within each batch
    # Gather neighbor features per batch element: features[dests] in the original.
    gathered = jax.vmap(lambda f, i: jnp.take(f, i, axis=0))(features, idx)  # [N, L, k, D]
    out = gathered.reshape(N * L, k, D)  # matches view(k, N*L, D).swapdims(0, 1) semantics
    return out

if __name__ == "__main__":
    import jax
    _d = setup_inputs()
    print(jax.jit(kernel)(*tuple(_d.values())))

</pallas_src>

<mosaic_0001>
#map = affine_map<(d0, d1) -> (0, 0)>
module attributes {stable_mosaic.version = 14 : i64} {
  func.func @gather_kernel(%arg0: i32, %arg1: i32, %arg2: memref<16384x128xf32, #tpu.memory_space<hbm>>, %arg3: memref<2048x128xi32, #tpu.memory_space<hbm>>, %arg4: memref<262144x128xf32, #tpu.memory_space<hbm>>, %arg5: memref<64x128xi32, #tpu.memory_space<vmem>>, %arg6: memref<128x128xf32, #tpu.memory_space<vmem>>, %arg7: memref<128x128xf32, #tpu.memory_space<vmem>>, %arg8: memref<!tpu.dma_semaphore, #tpu.memory_space<semaphore_mem>>, %arg9: memref<!tpu.dma_semaphore, #tpu.memory_space<semaphore_mem>>) attributes {dimension_semantics = [#tpu.dimension_semantics<core_parallel>, #tpu.dimension_semantics<subcore_parallel>], iteration_bounds = array<i64: 2, 16>, scalar_prefetch = 0 : i64, scratch_operands = 5 : i64, tpu.core_type = #tpu.core_type<sc_vector_subcore>, window_params = [{transform_indices = #map}, {transform_indices = #map}, {transform_indices = #map}]} {
    %mul3A = arith.constant 2 : i32
    %mul3A_0 = arith.muli %arg1, %mul3A : i32
    %add3A = arith.addi %mul3A_0, %arg0 : i32
    %mul3A_1 = arith.constant 64 : i32
    %mul3A_2 = arith.muli %add3A, %mul3A_1 : i32
    "tpu.region"() ({
      %run_scoped3A = tpu.sem_alloc : memref<!tpu.dma_semaphore, #tpu.memory_space<semaphore_mem>>
      %dma_start3A = arith.constant 0 : i32
      %dma_start3A_11 = tpu.memref_slice %arg3[%mul3A_2, %dma_start3A] : memref<2048x128xi32, #tpu.memory_space<hbm>> -> memref<64x128xi32, #tpu.memory_space<hbm>>
      %dma_start3A_12 = arith.constant 0 : i32
      %dma_start3A_13 = tpu.memref_slice %arg3[%mul3A_2, %dma_start3A_12] : memref<2048x128xi32, #tpu.memory_space<hbm>> -> memref<64x128xi32, #tpu.memory_space<hbm>>
      tpu.enqueue_dma source(%dma_start3A_13 : memref<64x128xi32, #tpu.memory_space<hbm>>) target(%arg5 : memref<64x128xi32, #tpu.memory_space<vmem>>) target_semaphore(%run_scoped3A : memref<!tpu.dma_semaphore, #tpu.memory_space<semaphore_mem>>)
      %dma_wait3A = arith.constant 0 : i32
      %dma_wait3A_14 = tpu.memref_slice %arg3[%mul3A_2, %dma_wait3A] : memref<2048x128xi32, #tpu.memory_space<hbm>> -> memref<64x128xi32, #tpu.memory_space<hbm>>
      %dma_wait3A_15 = arith.constant 0 : i32
      %dma_wait3A_16 = tpu.memref_slice %arg3[%mul3A_2, %dma_wait3A_15] : memref<2048x128xi32, #tpu.memory_space<hbm>> -> memref<64x128xi32, #tpu.memory_space<hbm>>
      tpu.wait_dma2 semaphore(%run_scoped3A : memref<!tpu.dma_semaphore, #tpu.memory_space<semaphore_mem>>) src(%dma_wait3A_16 : memref<64x128xi32, #tpu.memory_space<hbm>>) dst(%arg5 : memref<64x128xi32, #tpu.memory_space<vmem>>)
      tpu.yield
    }) : () -> ()
    %mul3A_3 = arith.constant 128 : i32
    %mul3A_4 = arith.muli %mul3A_2, %mul3A_3 : i32
    %scan3A = arith.constant 0 : i32
    %scan3A_5 = arith.constant 0 : i32
    %scan3A_6 = arith.constant 32 : i32
    %scan3A_7 = arith.addi %scan3A_5, %scan3A_6 : i32
    %scan3A_8 = arith.constant 1 : i32
    %scan3A_9 = scf.for %scan3A_11 = %scan3A_5 to %scan3A_7 step %scan3A_8 iter_args(%scan3A_12 = %scan3A) -> (i32)  : i32 {
      %mul3A_13 = arith.constant 2 : i32
      %mul3A_14 = arith.muli %mul3A_13, %scan3A_11 : i32
      %dma_start3A = arith.constant 0 : i32
      %dma_start3A_15 = tpu.memref_slice %arg5[%mul3A_14, %dma_start3A] : memref<64x128xi32, #tpu.memory_space<vmem>> -> memref<1x128xi32, #tpu.memory_space<vmem>>
      %dma_start3A_16 = tpu.memref_squeeze %dma_start3A_15 : memref<1x128xi32, #tpu.memory_space<vmem>> -> memref<128xi32, #tpu.memory_space<vmem>>
      %dma_start3A_17 = arith.constant 0 : i32
      %dma_start3A_18 = arith.constant 0 : i32
      %dma_start3A_19 = tpu.memref_slice %arg2[%dma_start3A_17, %dma_start3A_18] : memref<16384x128xf32, #tpu.memory_space<hbm>> -> memref<16384x128xf32, #tpu.memory_space<hbm>>
      tpu.enqueue_indirect_dma source(%dma_start3A_19 : memref<16384x128xf32, #tpu.memory_space<hbm>>) target(%arg6 : memref<128x128xf32, #tpu.memory_space<vmem>>) offsets(%dma_start3A_16 : memref<128xi32, #tpu.memory_space<vmem>>) semaphore(%arg8 : memref<!tpu.dma_semaphore, #tpu.memory_space<semaphore_mem>>)
      %dma_wait3A = arith.constant 0 : i32
      %dma_wait3A_20 = tpu.memref_slice %arg5[%mul3A_14, %dma_wait3A] : memref<64x128xi32, #tpu.memory_space<vmem>> -> memref<1x128xi32, #tpu.memory_space<vmem>>
      %dma_wait3A_21 = tpu.memref_squeeze %dma_wait3A_20 : memref<1x128xi32, #tpu.memory_space<vmem>> -> memref<128xi32, #tpu.memory_space<vmem>>
      %dma_wait3A_22 = arith.constant 0 : i32
      %dma_wait3A_23 = arith.constant 0 : i32
      %dma_wait3A_24 = tpu.memref_slice %arg2[%dma_wait3A_22, %dma_wait3A_23] : memref<16384x128xf32, #tpu.memory_space<hbm>> -> memref<16384x128xf32, #tpu.memory_space<hbm>>
      tpu.wait_indirect_dma semaphore(%arg8 : memref<!tpu.dma_semaphore, #tpu.memory_space<semaphore_mem>>) src(%dma_wait3A_24 : memref<16384x128xf32, #tpu.memory_space<hbm>>) dst(%arg6 : memref<128x128xf32, #tpu.memory_space<vmem>>)
      %mul3A_25 = arith.constant 128 : i32
      %mul3A_26 = arith.muli %mul3A_14, %mul3A_25 : i32
      %add3A_27 = arith.addi %mul3A_4, %mul3A_26 : i32
      "tpu.region"() ({
        %run_scoped3A = tpu.sem_alloc : memref<!tpu.dma_semaphore, #tpu.memory_space<semaphore_mem>>
        %dma_start3A_48 = arith.constant 0 : i32
        %dma_start3A_49 = tpu.memref_slice %arg4[%add3A_27, %dma_start3A_48] : memref<262144x128xf32, #tpu.memory_space<hbm>> -> memref<128x128xf32, #tpu.memory_space<hbm>>
        %dma_start3A_50 = arith.constant 0 : i32
        %dma_start3A_51 = tpu.memref_slice %arg4[%add3A_27, %dma_start3A_50] : memref<262144x128xf32, #tpu.memory_space<hbm>> -> memref<128x128xf32, #tpu.memory_space<hbm>>
        tpu.enqueue_dma source(%arg6 : memref<128x128xf32, #tpu.memory_space<vmem>>) target(%dma_start3A_51 : memref<128x128xf32, #tpu.memory_space<hbm>>) target_semaphore(%run_scoped3A : memref<!tpu.dma_semaphore, #tpu.memory_space<semaphore_mem>>)
        %dma_wait3A_52 = arith.constant 0 : i32
        %dma_wait3A_53 = tpu.memref_slice %arg4[%add3A_27, %dma_wait3A_52] : memref<262144x128xf32, #tpu.memory_space<hbm>> -> memref<128x128xf32, #tpu.memory_space<hbm>>
        %dma_wait3A_54 = arith.constant 0 : i32
        %dma_wait3A_55 = tpu.memref_slice %arg4[%add3A_27, %dma_wait3A_54] : memref<262144x128xf32, #tpu.memory_space<hbm>> -> memref<128x128xf32, #tpu.memory_space<hbm>>
        tpu.wait_dma2 semaphore(%run_scoped3A : memref<!tpu.dma_semaphore, #tpu.memory_space<semaphore_mem>>) src(%arg6 : memref<128x128xf32, #tpu.memory_space<vmem>>) dst(%dma_wait3A_55 : memref<128x128xf32, #tpu.memory_space<hbm>>)
        tpu.yield
      }) : () -> ()
      %mul3A_28 = arith.constant 2 : i32
      %mul3A_29 = arith.muli %mul3A_28, %scan3A_11 : i32
      %add3A_30 = arith.constant 1 : i32
      %add3A_31 = arith.addi %mul3A_29, %add3A_30 : i32
      %dma_start3A_32 = arith.constant 0 : i32
      %dma_start3A_33 = tpu.memref_slice %arg5[%add3A_31, %dma_start3A_32] : memref<64x128xi32, #tpu.memory_space<vmem>> -> memref<1x128xi32, #tpu.memory_space<vmem>>
      %dma_start3A_34 = tpu.memref_squeeze %dma_start3A_33 : memref<1x128xi32, #tpu.memory_space<vmem>> -> memref<128xi32, #tpu.memory_space<vmem>>
      %dma_start3A_35 = arith.constant 0 : i32
      %dma_start3A_36 = arith.constant 0 : i32
      %dma_start3A_37 = tpu.memref_slice %arg2[%dma_start3A_35, %dma_start3A_36] : memref<16384x128xf32, #tpu.memory_space<hbm>> -> memref<16384x128xf32, #tpu.memory_space<hbm>>
      tpu.enqueue_indirect_dma source(%dma_start3A_37 : memref<16384x128xf32, #tpu.memory_space<hbm>>) target(%arg7 : memref<128x128xf32, #tpu.memory_space<vmem>>) offsets(%dma_start3A_34 : memref<128xi32, #tpu.memory_space<vmem>>) semaphore(%arg9 : memref<!tpu.dma_semaphore, #tpu.memory_space<semaphore_mem>>)
      %dma_wait3A_38 = arith.constant 0 : i32
      %dma_wait3A_39 = tpu.memref_slice %arg5[%add3A_31, %dma_wait3A_38] : memref<64x128xi32, #tpu.memory_space<vmem>> -> memref<1x128xi32, #tpu.memory_space<vmem>>
      %dma_wait3A_40 = tpu.memref_squeeze %dma_wait3A_39 : memref<1x128xi32, #tpu.memory_space<vmem>> -> memref<128xi32, #tpu.memory_space<vmem>>
      %dma_wait3A_41 = arith.constant 0 : i32
      %dma_wait3A_42 = arith.constant 0 : i32
      %dma_wait3A_43 = tpu.memref_slice %arg2[%dma_wait3A_41, %dma_wait3A_42] : memref<16384x128xf32, #tpu.memory_space<hbm>> -> memref<16384x128xf32, #tpu.memory_space<hbm>>
      tpu.wait_indirect_dma semaphore(%arg9 : memref<!tpu.dma_semaphore, #tpu.memory_space<semaphore_mem>>) src(%dma_wait3A_43 : memref<16384x128xf32, #tpu.memory_space<hbm>>) dst(%arg7 : memref<128x128xf32, #tpu.memory_space<vmem>>)
      %mul3A_44 = arith.constant 128 : i32
      %mul3A_45 = arith.muli %add3A_31, %mul3A_44 : i32
      %add3A_46 = arith.addi %mul3A_4, %mul3A_45 : i32
      "tpu.region"() ({
        %run_scoped3A = tpu.sem_alloc : memref<!tpu.dma_semaphore, #tpu.memory_space<semaphore_mem>>
        %dma_start3A_48 = arith.constant 0 : i32
        %dma_start3A_49 = tpu.memref_slice %arg4[%add3A_46, %dma_start3A_48] : memref<262144x128xf32, #tpu.memory_space<hbm>> -> memref<128x128xf32, #tpu.memory_space<hbm>>
        %dma_start3A_50 = arith.constant 0 : i32
        %dma_start3A_51 = tpu.memref_slice %arg4[%add3A_46, %dma_start3A_50] : memref<262144x128xf32, #tpu.memory_space<hbm>> -> memref<128x128xf32, #tpu.memory_space<hbm>>
        tpu.enqueue_dma source(%arg7 : memref<128x128xf32, #tpu.memory_space<vmem>>) target(%dma_start3A_51 : memref<128x128xf32, #tpu.memory_space<hbm>>) target_semaphore(%run_scoped3A : memref<!tpu.dma_semaphore, #tpu.memory_space<semaphore_mem>>)
        %dma_wait3A_52 = arith.constant 0 : i32
        %dma_wait3A_53 = tpu.memref_slice %arg4[%add3A_46, %dma_wait3A_52] : memref<262144x128xf32, #tpu.memory_space<hbm>> -> memref<128x128xf32, #tpu.memory_space<hbm>>
        %dma_wait3A_54 = arith.constant 0 : i32
        %dma_wait3A_55 = tpu.memref_slice %arg4[%add3A_46, %dma_wait3A_54] : memref<262144x128xf32, #tpu.memory_space<hbm>> -> memref<128x128xf32, #tpu.memory_space<hbm>>
        tpu.wait_dma2 semaphore(%run_scoped3A : memref<!tpu.dma_semaphore, #tpu.memory_space<semaphore_mem>>) src(%arg7 : memref<128x128xf32, #tpu.memory_space<vmem>>) dst(%dma_wait3A_55 : memref<128x128xf32, #tpu.memory_space<hbm>>)
        tpu.yield
      }) : () -> ()
      %scan3A_47 = arith.constant 0 : i32
      scf.yield %scan3A_47 : i32
    }
    %scan3A_10 = arith.constant 32 : i32
    return
  }
}

module attributes {stable_mosaic.version = 14 : i64} {
  func.func @_topk_body(%arg0: i32, %arg1: i32, %arg2: memref<1x256x128xf32, #tpu.memory_space<vmem>>, %arg3: memref<1x2048x128xf32, #tpu.memory_space<vmem>>, %arg4: memref<1x128x2048xf32, #tpu.memory_space<vmem>>, %arg5: memref<1x256x16xi32, #tpu.memory_space<vmem>>, %arg6: memref<256x2048xf32, #tpu.memory_space<vmem>>) attributes {dimension_semantics = [#tpu.dimension_semantics<arbitrary>, #tpu.dimension_semantics<arbitrary>], iteration_bounds = array<i64: 8, 8>, scalar_prefetch = 0 : i64, scratch_operands = 1 : i64, tpu.core_type = #tpu.core_type<tc>, window_params = [{transform_indices = @transform_0, window_bounds = array<i64: 1, 256, 128>}, {transform_indices = @transform_1, window_bounds = array<i64: 1, 2048, 128>}, {transform_indices = @transform_2, window_bounds = array<i64: 1, 128, 2048>}, {transform_indices = @transform_3, window_bounds = array<i64: 1, 256, 16>}]} {
    %get3A = arith.constant 0 : index
    %get3A_0 = arith.constant 0 : index
    %get3A_1 = arith.constant 0 : index
    %get3A_2 = vector.load %arg2[%get3A, %get3A_0, %get3A_1] : memref<1x256x128xf32, #tpu.memory_space<vmem>>, vector<1x256x128xf32>
    %get3A_3 = vector.shape_cast %get3A_2 : vector<1x256x128xf32> to vector<256x128xf32>
    %get3A_4 = arith.constant 0 : index
    %get3A_5 = arith.constant 0 : index
    %get3A_6 = arith.constant 0 : index
    %get3A_7 = vector.load %arg3[%get3A_4, %get3A_5, %get3A_6] : memref<1x2048x128xf32, #tpu.memory_space<vmem>>, vector<1x2048x128xf32>
    %get3A_8 = vector.shape_cast %get3A_7 : vector<1x2048x128xf32> to vector<2048x128xf32>
    %get3A_9 = arith.constant 0 : index
    %get3A_10 = arith.constant 0 : index
    %get3A_11 = arith.constant 0 : index
    %get3A_12 = vector.load %arg4[%get3A_9, %get3A_10, %get3A_11] : memref<1x128x2048xf32, #tpu.memory_space<vmem>>, vector<1x128x2048xf32>
    %get3A_13 = vector.shape_cast %get3A_12 : vector<1x128x2048xf32> to vector<128x2048xf32>
    %dot_general3A = arith.constant dense<0.000000e+00> : vector<256x2048xf32>
    %dot_general3A_14 = tpu.matmul %get3A_3, %get3A_8, %dot_general3A {dimension_numbers = #tpu.dot_dimension_numbers<[1], [1], [0], [0], [0, 0, 1, 0], [], []>, transpose_lhs_hint = false} : vector<256x128xf32>, vector<2048x128xf32>, vector<256x2048xf32> -> vector<256x2048xf32>
    %mul3A = arith.mulf %get3A_3, %get3A_3 : vector<256x128xf32>
    %reduce_sum3A = arith.constant dense<0.000000e+00> : vector<256xf32>
    %reduce_sum3A_15 = vector.multi_reduction <add>, %mul3A, %reduce_sum3A [1] : vector<256x128xf32> to vector<256xf32>
    %broadcast_in_dim3A = vector.shape_cast %reduce_sum3A_15 : vector<256xf32> to vector<256x1xf32>
    %mul3A_16 = arith.mulf %get3A_13, %get3A_13 : vector<128x2048xf32>
    %reduce_sum3A_17 = arith.constant dense<0.000000e+00> : vector<2048xf32>
    %reduce_sum3A_18 = vector.multi_reduction <add>, %mul3A_16, %reduce_sum3A_17 [0] : vector<128x2048xf32> to vector<2048xf32>
    %broadcast_in_dim3A_19 = vector.shape_cast %reduce_sum3A_18 : vector<2048xf32> to vector<1x2048xf32>
    %add3A = vector.broadcast %broadcast_in_dim3A : vector<256x1xf32> to vector<256x2048xf32>
    %add3A_20 = vector.broadcast %broadcast_in_dim3A_19 : vector<1x2048xf32> to vector<256x2048xf32>
    %add3A_21 = arith.addf %add3A, %add3A_20 : vector<256x2048xf32>
    %mul3A_22 = arith.constant 2.000000e+00 : f32
    %mul3A_23 = vector.broadcast %mul3A_22 : f32 to vector<256x2048xf32>
    %mul3A_24 = arith.mulf %mul3A_23, %dot_general3A_14 : vector<256x2048xf32>
    %sub3A = arith.subf %add3A_21, %mul3A_24 : vector<256x2048xf32>
    %swap3A = arith.constant 0 : index
    %swap3A_25 = arith.constant 0 : index
    %swap3A_26 = vector.load %arg6[%swap3A, %swap3A_25] : memref<256x2048xf32, #tpu.memory_space<vmem>>, vector<256x2048xf32>
    tpu.vector_store %arg6[%swap3A, %swap3A_25], %sub3A {strides = array<i32>} : memref<256x2048xf32, #tpu.memory_space<vmem>>, vector<256x2048xf32>,
    %mul3A_27 = arith.constant 2048 : i32
    %mul3A_28 = arith.muli %arg0, %mul3A_27 : i32
    %iota3A = tpu.iota {dimensions = array<i32: 1>} : vector<8x128xi32>
    %scan3A = arith.constant 4096 : i32
    %scan3A_29 = arith.constant 0 : i32
    %scan3A_30 = arith.constant 32 : i32
    %scan3A_31 = arith.addi %scan3A_29, %scan3A_30 : i32
    %scan3A_32 = arith.constant 1 : i32
    scf.for %scan3A_34 = %scan3A_29 to %scan3A_31 step %scan3A_32  : i32 {
      %mul3A_35 = arith.constant 8 : i32
      %mul3A_36 = arith.muli %scan3A_34, %mul3A_35 : i32
      %get3A_37 = arith.index_cast %mul3A_36 : i32 to index
      %get3A_38 = arith.constant 0 : index
      %get3A_39 = vector.load %arg6[%get3A_37, %get3A_38] : memref<256x2048xf32, #tpu.memory_space<vmem>>, vector<8x2048xf32>
      %slice3A = vector.extract_strided_slice %get3A_39 {offsets = [0, 0], sizes = [8, 128], strides = [1, 1]} : vector<8x2048xf32> to vector<8x128xf32>
      %slice3A_40 = vector.extract_strided_slice %get3A_39 {offsets = [0, 128], sizes = [8, 128], strides = [1, 1]} : vector<8x2048xf32> to vector<8x128xf32>
      %slice3A_41 = vector.extract_strided_slice %get3A_39 {offsets = [0, 256], sizes = [8, 128], strides = [1, 1]} : vector<8x2048xf32> to vector<8x128xf32>
      %slice3A_42 = vector.extract_strided_slice %get3A_39 {offsets = [0, 384], sizes = [8, 128], strides = [1, 1]} : vector<8x2048xf32> to vector<8x128xf32>
      %slice3A_43 = vector.extract_strided_slice %get3A_39 {offsets = [0, 512], sizes = [8, 128], strides = [1, 1]} : vector<8x2048xf32> to vector<8x128xf32>
      %slice3A_44 = vector.extract_strided_slice %get3A_39 {offsets = [0, 640], sizes = [8, 128], strides = [1, 1]} : vector<8x2048xf32> to vector<8x128xf32>
      %slice3A_45 = vector.extract_strided_slice %get3A_39 {offsets = [0, 768], sizes = [8, 128], strides = [1, 1]} : vector<8x2048xf32> to vector<8x128xf32>
      %slice3A_46 = vector.extract_strided_slice %get3A_39 {offsets = [0, 896], sizes = [8, 128], strides = [1, 1]} : vector<8x2048xf32> to vector<8x128xf32>
      %slice3A_47 = vector.extract_strided_slice %get3A_39 {offsets = [0, 1024], sizes = [8, 128], strides = [1, 1]} : vector<8x2048xf32> to vector<8x128xf32>
      %slice3A_48 = vector.extract_strided_slice %get3A_39 {offsets = [0, 1152], sizes = [8, 128], strides = [1, 1]} : vector<8x2048xf32> to vector<8x128xf32>
      %slice3A_49 = vector.extract_strided_slice %get3A_39 {offsets = [0, 1280], sizes = [8, 128], strides = [1, 1]} : vector<8x2048xf32> to vector<8x128xf32>
      %slice3A_50 = vector.extract_strided_slice %get3A_39 {offsets = [0, 1408], sizes = [8, 128], strides = [1, 1]} : vector<8x2048xf32> to vector<8x128xf32>
      %slice3A_51 = vector.extract_strided_slice %get3A_39 {offsets = [0, 1536], sizes = [8, 128], strides = [1, 1]} : vector<8x2048xf32> to vector<8x128xf32>
      %slice3A_52 = vector.extract_strided_slice %get3A_39 {offsets = [0, 1664], sizes = [8, 128], strides = [1, 1]} : vector<8x2048xf32> to vector<8x128xf32>
      %slice3A_53 = vector.extract_strided_slice %get3A_39 {offsets = [0, 1792], sizes = [8, 128], strides = [1, 1]} : vector<8x2048xf32> to vector<8x128xf32>
      %slice3A_54 = vector.extract_strided_slice %get3A_39 {offsets = [0, 1920], sizes = [8, 128], strides = [1, 1]} : vector<8x2048xf32> to vector<8x128xf32>
      %add3A_55 = arith.constant 0 : i32
      %add3A_56 = vector.broadcast %add3A_55 : i32 to vector<8x128xi32>
      %add3A_57 = arith.addi %iota3A, %add3A_56 : vector<8x128xi32>
      %add3A_58 = arith.constant 128 : i32
      %add3A_59 = vector.broadcast %add3A_58 : i32 to vector<8x128xi32>
      %add3A_60 = arith.addi %iota3A, %add3A_59 : vector<8x128xi32>
      %add3A_61 = arith.constant 256 : i32
      %add3A_62 = vector.broadcast %add3A_61 : i32 to vector<8x128xi32>
      %add3A_63 = arith.addi %iota3A, %add3A_62 : vector<8x128xi32>
      %add3A_64 = arith.constant 384 : i32
      %add3A_65 = vector.broadcast %add3A_64 : i32 to vector<8x128xi32>
      %add3A_66 = arith.addi %iota3A, %add3A_65 : vector<8x128xi32>
      %add3A_67 = arith.constant 512 : i32
      %add3A_68 = vector.broadcast %add3A_67 : i32 to vector<8x128xi32>
      %add3A_69 = arith.addi %iota3A, %add3A_68 : vector<8x128xi32>
      %add3A_70 = arith.constant 640 : i32
      %add3A_71 = vector.broadcast %add3A_70 : i32 to vector<8x128xi32>
      %add3A_72 = arith.addi %iota3A, %add3A_71 : vector<8x128xi32>
      %add3A_73 = arith.constant 768 : i32
      %add3A_74 = vector.broadcast %add3A_73 : i32 to vector<8x128xi32>
      %add3A_75 = arith.addi %iota3A, %add3A_74 : vector<8x128xi32>
      %add3A_76 = arith.constant 896 : i32
      %add3A_77 = vector.broadcast %add3A_76 : i32 to vector<8x128xi32>
      %add3A_78 = arith.addi %iota3A, %add3A_77 : vector<8x128xi32>
      %add3A_79 = arith.constant 1024 : i32
      %add3A_80 = vector.broadcast %add3A_79 : i32 to vector<8x128xi32>
      %add3A_81 = arith.addi %iota3A, %add3A_80 : vector<8x128xi32>
      %add3A_82 = arith.constant 1152 : i32
      %add3A_83 = vector.broadcast %add3A_82 : i32 to vector<8x128xi32>
      %add3A_84 = arith.addi %iota3A, %add3A_83 : vector<8x128xi32>
      %add3A_85 = arith.constant 1280 : i32
      %add3A_86 = vector.broadcast %add3A_85 : i32 to vector<8x128xi32>
      %add3A_87 = arith.addi %iota3A, %add3A_86 : vector<8x128xi32>
      %add3A_88 = arith.constant 1408 : i32
      %add3A_89 = vector.broadcast %add3A_88 : i32 to vector<8x128xi32>
      %add3A_90 = arith.addi %iota3A, %add3A_89 : vector<8x128xi32>
      %add3A_91 = arith.constant 1536 : i32
      %add3A_92 = vector.broadcast %add3A_91 : i32 to vector<8x128xi32>
      %add3A_93 = arith.addi %iota3A, %add3A_92 : vector<8x128xi32>
      %add3A_94 = arith.constant 1664 : i32
      %add3A_95 = vector.broadcast %add3A_94 : i32 to vector<8x128xi32>
      %add3A_96 = arith.addi %iota3A, %add3A_95 : vector<8x128xi32>
      %add3A_97 = arith.constant 1792 : i32
      %add3A_98 = vector.broadcast %add3A_97 : i32 to vector<8x128xi32>
      %add3A_99 = arith.addi %iota3A, %add3A_98 : vector<8x128xi32>
      %add3A_100 = arith.constant 1920 : i32
      %add3A_101 = vector.broadcast %add3A_100 : i32 to vector<8x128xi32>
      %add3A_102 = arith.addi %iota3A, %add3A_101 : vector<8x128xi32>
      %lt3A = arith.cmpf olt, %slice3A_40, %slice3A : vector<8x128xf32>
      %eq3A = arith.cmpf oeq, %slice3A_40, %slice3A : vector<8x128xf32>
      %lt3A_103 = arith.cmpi slt, %add3A_60, %add3A_57 : vector<8x128xi32>
      %and3A = arith.andi %eq3A, %lt3A_103 : vector<8x128xi1>
      %or3A = arith.ori %lt3A, %and3A : vector<8x128xi1>
      %select_n3A = arith.select %or3A, %slice3A_40, %slice3A : vector<8x128xi1>, vector<8x128xf32>
      %select_n3A_104 = arith.select %or3A, %slice3A, %slice3A_40 : vector<8x128xi1>, vector<8x128xf32>
      %select_n3A_105 = arith.select %or3A, %add3A_60, %add3A_57 : vector<8x128xi1>, vector<8x128xi32>
      %select_n3A_106 = arith.select %or3A, %add3A_57, %add3A_60 : vector<8x128xi1>, vector<8x128xi32>
      %lt3A_107 = arith.cmpf olt, %slice3A_42, %slice3A_41 : vector<8x128xf32>
      %eq3A_108 = arith.cmpf oeq, %slice3A_42, %slice3A_41 : vector<8x128xf32>
      %lt3A_109 = arith.cmpi slt, %add3A_66, %add3A_63 : vector<8x128xi32>
      %and3A_110 = arith.andi %eq3A_108, %lt3A_109 : vector<8x128xi1>
      %or3A_111 = arith.ori %lt3A_107, %and3A_110 : vector<8x128xi1>
      %select_n3A_112 = arith.select %or3A_111, %slice3A_42, %slice3A_41 : vector<8x128xi1>, vector<8x128xf32>
      %select_n3A_113 = arith.select %or3A_111, %slice3A_41, %slice3A_42 : vector<8x128xi1>, vector<8x128xf32>
      %select_n3A_114 = arith.select %or3A_111, %add3A_66, %add3A_63 : vector<8x128xi1>, vector<8x128xi32>
      %select_n3A_115 = arith.select %or3A_111, %add3A_63, %add3A_66 : vector<8x128xi1>, vector<8x128xi32>
      %lt3A_116 = arith.cmpf olt, %slice3A_44, %slice3A_43 : vector<8x128xf32>
      %eq3A_117 = arith.cmpf oeq, %slice3A_44, %slice3A_43 : vector<8x128xf32>
      %lt3A_118 = arith.cmpi slt, %add3A_72, %add3A_69 : vector<8x128xi32>
      %and3A_119 = arith.andi %eq3A_117, %lt3A_118 : vector<8x128xi1>
      %or3A_120 = arith.ori %lt3A_116, %and3A_119 : vector<8x128xi1>
      %select_n3A_121 = arith.select %or3A_120, %slice3A_44, %slice3A_43 : vector<8x128xi1>, vector<8x128xf32>
      %select_n3A_122 = arith.select %or3A_120, %slice3A_43, %slice3A_44 : vector<8x128xi1>, vector<8x128xf32>
      %select_n3A_123 = arith.select %or3A_120, %add3A_72, %add3A_69 : vector<8x128xi1>, vector<8x128xi32>
      %select_n3A_124 = arith.select %or3A_120, %add3A_69, %add3A_72 : vector<8x128xi1>, vector<8x128xi32>
      %lt3A_125 = arith.cmpf olt, %slice3A_46, %slice3A_45 : vector<8x128xf32>
      %eq3A_126 = arith.cmpf oeq, %slice3A_46, %slice3A_45 : vector<8x128xf32>
      %lt3A_127 = arith.cmpi slt, %add3A_78, %add3A_75 : vector<8x128xi32>
      %and3A_128 = arith.andi %eq3A_126, %lt3A_127 : vector<8x128xi1>
      %or3A_129 = arith.ori %lt3A_125, %and3A_128 : vector<8x128xi1>
      %select_n3A_130 = arith.select %or3A_129, %slice3A_46, %slice3A_45 : vector<8x128xi1>, vector<8x128xf32>
      %select_n3A_131 = arith.select %or3A_129, %slice3A_45, %slice3A_46 : vector<8x128xi1>, vector<8x128xf32>
      %select_n3A_132 = arith.select %or3A_129, %add3A_78, %add3A_75 : vector<8x128xi1>, vector<8x128xi32>
      %select_n3A_133 = arith.select %or3A_129, %add3A_75, %add3A_78 : vector<8x128xi1>, vector<8x128xi32>
      %lt3A_134 = arith.cmpf olt, %slice3A_48, %slice3A_47 : vector<8x128xf32>
      %eq3A_135 = arith.cmpf oeq, %slice3A_48, %slice3A_47 : vector<8x128xf32>
      %lt3A_136 = arith.cmpi slt, %add3A_84, %add3A_81 : vector<8x128xi32>
      %and3A_137 = arith.andi %eq3A_135, %lt3A_136 : vector<8x128xi1>
      %or3A_138 = arith.ori %lt3A_134, %and3A_137 : vector<8x128xi1>
      %select_n3A_139 = arith.select %or3A_138, %slice3A_48, %slice3A_47 : vector<8x128xi1>, vector<8x128xf32>
      %select_n3A_140 = arith.select %or3A_138, %slice3A_47, %slice3A_48 : vector<8x128xi1>, vector<8x128xf32>
      %select_n3A_141 = arith.select %or3A_138, %add3A_84, %add3A_81 : vector<8x128xi1>, vector<8x128xi32>
      %select_n3A_142 = arith.select %or3A_138, %add3A_81, %add3A_84 : vector<8x128xi1>, vector<8x128xi32>
      %lt3A_143 = arith.cmpf olt, %slice3A_50, %slice3A_49 : vector<8x128xf32>
      %eq3A_144 = arith.cmpf oeq, %slice3A_50, %slice3A_49 : vector<8x128xf32>
      %lt3A_145 = arith.cmpi slt, %add3A_90, %add3A_87 : vector<8x128xi32>
      %and3A_146 = arith.andi %eq3A_144, %lt3A_145 : vector<8x128xi1>
      %or3A_147 = arith.ori %lt3A_143, %and3A_146 : vector<8x128xi1>
      %select_n3A_148 = arith.select %or3A_147, %slice3A_50, %slice3A_49 : vector<8x128xi1>, vector<8x128xf32>
      %select_n3A_149 = arith.select %or3A_147, %slice3A_49, %slice3A_50 : vector<8x128xi1>, vector<8x128xf32>
      %select_n3A_150 = arith.select %or3A_147, %add3A_90, %add3A_87 : vector<8x128xi1>, vector<8x128xi32>
      %select_n3A_151 = arith.select %or3A_147, %add3A_87, %add3A_90 : vector<8x128xi1>, vector<8x128xi32>
      %lt3A_152 = arith.cmpf olt, %slice3A_52, %slice3A_51 : vector<8x128xf32>
      %eq3A_153 = arith.cmpf oeq, %slice3A_52, %slice3A_51 : vector<8x128xf32>
      %lt3A_154 = arith.cmpi slt, %add3A_96, %add3A_93 : vector<8x128xi32>
      %and3A_155 = arith.andi %eq3A_153, %lt3A_154 : vector<8x128xi1>
      %or3A_156 = arith.ori %lt3A_152, %and3A_155 : vector<8x128xi1>
      %select_n3A_157 = arith.select %or3A_156, %slice3A_52, %slice3A_51 : vector<8x128xi1>, vector<8x128xf32>
      %select_n3A_158 = arith.select %or3A_156, %slice3A_51, %slice3A_52 : vector<8x128xi1>, vector<8x128xf32>
      %select_n3A_159 = arith.select %or3A_156, %add3A_96, %add3A_93 : vector<8x128xi1>, vector<8x128xi32>
      %select_n3A_160 = arith.select %or3A_156, %add3A_93, %add3A_96 : vector<8x128xi1>, vector<8x128xi32>
      %lt3A_161 = arith.cmpf olt, %slice3A_54, %slice3A_53 : vector<8x128xf32>
      %eq3A_162 = arith.cmpf oeq, %slice3A_54, %slice3A_53 : vector<8x128xf32>
      %lt3A_163 = arith.cmpi slt, %add3A_102, %add3A_99 : vector<8x128xi32>
      %and3A_164 = arith.andi %eq3A_162, %lt3A_163 : vector<8x128xi1>
      %or3A_165 = arith.ori %lt3A_161, %and3A_164 : vector<8x128xi1>
      %select_n3A_166 = arith.select %or3A_165, %slice3A_54, %slice3A_53 : vector<8x128xi1>, vector<8x128xf32>
      %select_n3A_167 = arith.select %or3A_165, %slice3A_53, %slice3A_54 : vector<8x128xi1>, vector<8x128xf32>
      %select_n3A_168 = arith.select %or3A_165, %add3A_102, %add3A_99 : vector<8x128xi1>, vector<8x128xi32>
      %select_n3A_169 = arith.select %or3A_165, %add3A_99, %add3A_102 : vector<8x128xi1>, vector<8x128xi32>
      %lt3A_170 = arith.cmpf olt, %select_n3A_112, %select_n3A : vector<8x128xf32>
      %eq3A_171 = arith.cmpf oeq, %select_n3A_112, %select_n3A : vector<8x128xf32>
      %lt3A_172 = arith.cmpi slt, %select_n3A_114, %select_n3A_105 : vector<8x128xi32>
      %and3A_173 = arith.andi %eq3A_171, %lt3A_172 : vector<8x128xi1>
      %or3A_174 = arith.ori %lt3A_170, %and3A_173 : vector<8x128xi1>
      %select_n3A_175 = arith.select %or3A_174, %select_n3A_112, %select_n3A : vector<8x128xi1>, vector<8x128xf32>
      %select_n3A_176 = arith.select %or3A_174, %select_n3A, %select_n3A_112 : vector<8x128xi1>, vector<8x128xf32>
      %select_n3A_177 = arith.select %or3A_174, %select_n3A_114, %select_n3A_105 : vector<8x128xi1>, vector<8x128xi32>
      %select_n3A_178 = arith.select %or3A_174, %select_n3A_105, %select_n3A_114 : vector<8x128xi1>, vector<8x128xi32>
      %lt3A_179 = arith.cmpf olt, %select_n3A_113, %select_n3A_104 : vector<8x128xf32>
      %eq3A_180 = arith.cmpf oeq, %select_n3A_113, %select_n3A_104 : vector<8x128xf32>
      %lt3A_181 = arith.cmpi slt, %select_n3A_115, %select_n3A_106 : vector<8x128xi32>
      %and3A_182 = arith.andi %eq3A_180, %lt3A_181 : vector<8x128xi1>
      %or3A_183 = arith.ori %lt3A_179, %and3A_182 : vector<8x128xi1>
      %select_n3A_184 = arith.select %or3A_183, %select_n3A_113, %select_n3A_104 : vector<8x128xi1>, vector<8x128xf32>
      %select_n3A_185 = arith.select %or3A_183, %select_n3A_104, %select_n3A_113 : vector<8x128xi1>, vector<8x128xf32>
      %select_n3A_186 = arith.select %or3A_183, %select_n3A_115, %select_n3A_106 : vector<8x128xi1>, vector<8x128xi32>
      %select_n3A_187 = arith.select %or3A_183, %select_n3A_106, %select_n3A_115 : vector<8x128xi1>, vector<8x128xi32>
      %lt3A_188 = arith.cmpf olt, %select_n3A_130, %select_n3A_121 : vector<8x128xf32>
      %eq3A_189 = arith.cmpf oeq, %select_n3A_130, %select_n3A_121 : vector<8x128xf32>
      %lt3A_190 = arith.cmpi slt, %select_n3A_132, %select_n3A_123 : vector<8x128xi32>
      %and3A_191 = arith.andi %eq3A_189, %lt3A_190 : vector<8x128xi1>
      %or3A_192 = arith.ori %lt3A_188, %and3A_191 : vector<8x128xi1>
      %select_n3A_193 = arith.select %or3A_192, %select_n3A_130, %select_n3A_121 : vector<8x128xi1>, vector<8x128xf32>
      %select_n3A_194 = arith.select %or3A_192, %select_n3A_121, %select_n3A_130 : vector<8x128xi1>, vector<8x128xf32>
      %select_n3A_195 = arith.select %or3A_192, %select_n3A_132, %select_n3A_123 : vector<8x128xi1>, vector<8x128xi32>
      %select_n3A_196 = arith.select %or3A_192, %select_n3A_123, %select_n3A_132 : vector<8x128xi1>, vector<8x128xi32>
      %lt3A_197 = arith.cmpf olt, %select_n3A_131, %select_n3A_122 : vector<8x128xf32>
      %eq3A_198 = arith.cmpf oeq, %select_n3A_131, %select_n3A_122 : vector<8x128xf32>
      %lt3A_199 = arith.cmpi slt, %select_n3A_133, %select_n3A_124 : vector<8x128xi32>
      %and3A_200 = arith.andi %eq3A_198, %lt3A_199 : vector<8x128xi1>
      %or3A_201 = arith.ori %lt3A_197, %and3A_200 : vector<8x128xi1>
      %select_n3A_202 = arith.select %or3A_201, %select_n3A_131, %select_n3A_122 : vector<8x128xi1>, vector<8x128xf32>
      %select_n3A_203 = arith.select %or3A_201, %select_n3A_122, %select_n3A_131 : vector<8x128xi1>, vector<8x128xf32>
      %select_n3A_204 = arith.select %or3A_201, %select_n3A_133, %select_n3A_124 : vector<8x128xi1>, vector<8x128xi32>
      %select_n3A_205 = arith.select %or3A_201, %select_n3A_124, %select_n3A_133 : vector<8x128xi1>, vector<8x128xi32>
      %lt3A_206 = arith.cmpf olt, %select_n3A_148, %select_n3A_139 : vector<8x128xf32>
      %eq3A_207 = arith.cmpf oeq, %select_n3A_148, %select_n3A_139 : vector<8x128xf32>
      %lt3A_208 = arith.cmpi slt, %select_n3A_150, %select_n3A_141 : vector<8x128xi32>
      %and3A_209 = arith.andi %eq3A_207, %lt3A_208 : vector<8x128xi1>
      %or3A_210 = arith.ori %lt3A_206, %and3A_209 : vector<8x128xi1>
      %select_n3A_211 = arith.select %or3A_210, %select_n3A_148, %select_n3A_139 : vector<8x128xi1>, vector<8x128xf32>
      %select_n3A_212 = arith.select %or3A_210, %select_n3A_139, %select_n3A_148 : vector<8x128xi1>, vector<8x128xf32>
      %select_n3A_213 = arith.select %or3A_210, %select_n3A_150, %select_n3A_141 : vector<8x128xi1>, vector<8x128xi32>
      %select_n3A_214 = arith.select %or3A_210, %select_n3A_141, %select_n3A_150 : vector<8x128xi1>, vector<8x128xi32>
      %lt3A_215 = arith.cmpf olt, %select_n3A_149, %select_n3A_140 : vector<8x128xf32>
      %eq3A_216 = arith.cmpf oeq, %select_n3A_149, %select_n3A_140 : vector<8x128xf32>
      %lt3A_217 = arith.cmpi slt, %select_n3A_151, %select_n3A_142 : vector<8x128xi32>
      %and3A_218 = arith.andi %eq3A_216, %lt3A_217 : vector<8x128xi1>
      %or3A_219 = arith.ori %lt3A_215, %and3A_218 : vector<8x128xi1>
      %select_n3A_220 = arith.select %or3A_219, %select_n3A_149, %select_n3A_140 : vector<8x128xi1>, vector<8x128xf32>
      %select_n3A_221 = arith.select %or3A_219, %select_n3A_140, %select_n3A_149 : vector<8x128xi1>, vector<8x128xf32>
      %select_n3A_222 = arith.select %or3A_219, %select_n3A_151, %select_n3A_142 : vector<8x128xi1>, vector<8x128xi32>
      %select_n3A_223 = arith.select %or3A_219, %select_n3A_142, %select_n3A_151 : vector<8x128xi1>, vector<8x128xi32>
      %lt3A_224 = arith.cmpf olt, %select_n3A_166, %select_n3A_157 : vector<8x128xf32>
      %eq3A_225 = arith.cmpf oeq, %select_n3A_166, %select_n3A_157 : vector<8x128xf32>
      %lt3A_226 = arith.cmpi slt, %select_n3A_168, %select_n3A_159 : vector<8x128xi32>
      %and3A_227 = arith.andi %eq3A_225, %lt3A_226 : vector<8x128xi1>
      %or3A_228 = arith.ori %lt3A_224, %and3A_227 : vector<8x128xi1>
      %select_n3A_229 = arith.select %or3A_228, %select_n3A_166, %select_n3A_157 : vector<8x128xi1>, vector<8x128xf32>
      %select_n3A_230 = arith.select %or3A_228, %select_n3A_157, %select_n3A_166 : vector<8x128xi1>, vector<8x128xf32>
      %select_n3A_231 = arith.select %or3A_228, %select_n3A_168, %select_n3A_159 : vector<8x128xi1>, vector<8x128xi32>
      %select_n3A_232 = arith.select %or3A_228, %select_n3A_159, %select_n3A_168 : vector<8x128xi1>, vector<8x128xi32>
      %lt3A_233 = arith.cmpf olt, %select_n3A_167, %select_n3A_158 : vector<8x128xf32>
      %eq3A_234 = arith.cmpf oeq, %select_n3A_167, %select_n3A_158 : vector<8x128xf32>
      %lt3A_235 = arith.cmpi slt, %select_n3A_169, %select_n3A_160 : vector<8x128xi32>
      %and3A_236 = arith.andi %eq3A_234, %lt3A_235 : vector<8x128xi1>
      %or3A_237 = arith.ori %lt3A_233, %and3A_236 : vector<8x128xi1>
      %select_n3A_238 = arith.select %or3A_237, %select_n3A_167, %select_n3A_158 : vector<8x128xi1>, vector<8x128xf32>
      %select_n3A_239 = arith.select %or3A_237, %select_n3A_158, %select_n3A_167 : vector<8x128xi1>, vector<8x128xf32>
      %select_n3A_240 = arith.select %or3A_237, %select_n3A_169, %select_n3A_160 : vector<8x128xi1>, vector<8x128xi32>
      %select_n3A_241 = arith.select %or3A_237, %select_n3A_160, %select_n3A_169 : vector<8x128xi1>, vector<8x128xi32>
      %lt3A_242 = arith.cmpf olt, %select_n3A_176, %select_n3A_184 : vector<8x128xf32>
      %eq3A_243 = arith.cmpf oeq, %select_n3A_176, %select_n3A_184 : vector<8x128xf32>
      %lt3A_244 = arith.cmpi slt, %select_n3A_178, %select_n3A_186 : vector<8x128xi32>
      %and3A_245 = arith.andi %eq3A_243, %lt3A_244 : vector<8x128xi1>
      %or3A_246 = arith.ori %lt3A_242, %and3A_245 : vector<8x128xi1>
      %select_n3A_247 = arith.select %or3A_246, %select_n3A_176, %select_n3A_184 : vector<8x128xi1>, vector<8x128xf32>
      %select_n3A_248 = arith.select %or3A_246, %select_n3A_184, %select_n3A_176 : vector<8x128xi1>, vector<8x128xf32>
      %select_n3A_249 = arith.select %or3A_246, %select_n3A_178, %select_n3A_186 : vector<8x128xi1>, vector<8x128xi32>
      %select_n3A_250 = arith.select %or3A_246, %select_n3A_186, %select_n3A_178 : vector<8x128xi1>, vector<8x128xi32>
      %lt3A_251 = arith.cmpf olt, %select_n3A_194, %select_n3A_202 : vector<8x128xf32>
      %eq3A_252 = arith.cmpf oeq, %select_n3A_194, %select_n3A_202 : vector<8x128xf32>
      %lt3A_253 = arith.cmpi slt, %select_n3A_196, %select_n3A_204 : vector<8x128xi32>
      %and3A_254 = arith.andi %eq3A_252, %lt3A_253 : vector<8x128xi1>
      %or3A_255 = arith.ori %lt3A_251, %and3A_254 : vector<8x128xi1>
      %select_n3A_256 = arith.select %or3A_255, %select_n3A_194, %select_n3A_202 : vector<8x128xi1>, vector<8x128xf32>
      %select_n3A_257 = arith.select %or3A_255, %select_n3A_202, %select_n3A_194 : vector<8x128xi1>, vector<8x128xf32>
      %select_n3A_258 = arith.select %or3A_255, %select_n3A_196, %select_n3A_204 : vector<8x128xi1>, vector<8x128xi32>
      %select_n3A_259 = arith.select %or3A_255, %select_n3A_204, %select_n3A_196 : vector<8x128xi1>, vector<8x128xi32>
      %lt3A_260 = arith.cmpf olt, %select_n3A_212, %select_n3A_220 : vector<8x128xf32>
      %eq3A_261 = arith.cmpf oeq, %select_n3A_212, %select_n3A_220 : vector<8x128xf32>
      %lt3A_262 = arith.cmpi slt, %select_n3A_214, %select_n3A_222 : vector<8x128xi32>
      %and3A_263 = arith.andi %eq3A_261, %lt3A_262 : vector<8x128xi1>
      %or3A_264 = arith.ori %lt3A_260, %and3A_263 : vector<8x128xi1>
      %select_n3A_265 = arith.select %or3A_264, %select_n3A_212, %select_n3A_220 : vector<8x128xi1>, vector<8x128xf32>
      %select_n3A_266 = arith.select %or3A_264, %select_n3A_220, %select_n3A_212 : vector<8x128xi1>, vector<8x128xf32>
      %select_n3A_267 = arith.select %or3A_264, %select_n3A_214, %select_n3A_222 : vector<8x128xi1>, vector<8x128xi32>
      %select_n3A_268 = arith.select %or3A_264, %select_n3A_222, %select_n3A_214 : vector<8x128xi1>, vector<8x128xi32>
      %lt3A_269 = arith.cmpf olt, %select_n3A_230, %select_n3A_238 : vector<8x128xf32>
      %eq3A_270 = arith.cmpf oeq, %select_n3A_230, %select_n3A_238 : vector<8x128xf32>
      %lt3A_271 = arith.cmpi slt, %select_n3A_232, %select_n3A_240 : vector<8x128xi32>
      %and3A_272 = arith.andi %eq3A_270, %lt3A_271 : vector<8x128xi1>
      %or3A_273 = arith.ori %lt3A_269, %and3A_272 : vector<8x128xi1>
      %select_n3A_274 = arith.select %or3A_273, %select_n3A_230, %select_n3A_238 : vector<8x128xi1>, vector<8x128xf32>
      %select_n3A_275 = arith.select %or3A_273, %select_n3A_238, %select_n3A_230 : vector<8x128xi1>, vector<8x128xf32>
      %select_n3A_276 = arith.select %or3A_273, %select_n3A_232, %select_n3A_240 : vector<8x128xi1>, vector<8x128xi32>
      %select_n3A_277 = arith.select %or3A_273, %select_n3A_240, %select_n3A_232 : vector<8x128xi1>, vector<8x128xi32>
      %lt3A_278 = arith.cmpf olt, %select_n3A_193, %select_n3A_175 : vector<8x128xf32>
      %eq3A_279 = arith.cmpf oeq, %select_n3A_193, %select_n3A_175 : vector<8x128xf32>
      %lt3A_280 = arith.cmpi slt, %select_n3A_195, %select_n3A_177 : vector<8x128xi32>
      %and3A_281 = arith.andi %eq3A_279, %lt3A_280 : vector<8x128xi1>
      %or3A_282 = arith.ori %lt3A_278, %and3A_281 : vector<8x128xi1>
      %select_n3A_283 = arith.select %or3A_282, %select_n3A_193, %select_n3A_175 : vector<8x128xi1>, vector<8x128xf32>
      %select_n3A_284 = arith.select %or3A_282, %select_n3A_175, %select_n3A_193 : vector<8x128xi1>, vector<8x128xf32>
      %select_n3A_285 = arith.select %or3A_282, %select_n3A_195, %select_n3A_177 : vector<8x128xi1>, vector<8x128xi32>
      %select_n3A_286 = arith.select %or3A_282, %select_n3A_177, %select_n3A_195 : vector<8x128xi1>, vector<8x128xi32>
      %lt3A_287 = arith.cmpf olt, %select_n3A_256, %select_n3A_247 : vector<8x128xf32>
      %eq3A_288 = arith.cmpf oeq, %select_n3A_256, %select_n3A_247 : vector<8x128xf32>
      %lt3A_289 = arith.cmpi slt, %select_n3A_258, %select_n3A_249 : vector<8x128xi32>
      %and3A_290 = arith.andi %eq3A_288, %lt3A_289 : vector<8x128xi1>
      %or3A_291 = arith.ori %lt3A_287, %and3A_290 : vector<8x128xi1>
      %select_n3A_292 = arith.select %or3A_291, %select_n3A_256, %select_n3A_247 : vector<8x128xi1>, vector<8x128xf32>
      %select_n3A_293 = arith.select %or3A_291, %select_n3A_247, %select_n3A_256 : vector<8x128xi1>, vector<8x128xf32>
      %select_n3A_294 = arith.select %or3A_291, %select_n3A_258, %select_n3A_249 : vector<8x128xi1>, vector<8x128xi32>
      %select_n3A_295 = arith.select %or3A_291, %select_n3A_249, %select_n3A_258 : vector<8x128xi1>, vector<8x128xi32>
      %lt3A_296 = arith.cmpf olt, %select_n3A_257, %select_n3A_248 : vector<8x128xf32>
      %eq3A_297 = arith.cmpf oeq, %select_n3A_257, %select_n3A_248 : vector<8x128xf32>
      %lt3A_298 = arith.cmpi slt, %select_n3A_259, %select_n3A_250 : vector<8x128xi32>
      %and3A_299 = arith.andi %eq3A_297, %lt3A_298 : vector<8x128xi1>
      %or3A_300 = arith.ori %lt3A_296, %and3A_299 : vector<8x128xi1>
      %select_n3A_301 = arith.select %or3A_300, %select_n3A_257, %select_n3A_248 : vector<8x128xi1>, vector<8x128xf32>
      %select_n3A_302 = arith.select %or3A_300, %select_n3A_248, %select_n3A_257 : vector<8x128xi1>, vector<8x128xf32>
      %select_n3A_303 = arith.select %or3A_300, %select_n3A_259, %select_n3A_250 : vector<8x128xi1>, vector<8x128xi32>
      %select_n3A_304 = arith.select %or3A_300, %select_n3A_250, %select_n3A_259 : vector<8x128xi1>, vector<8x128xi32>
      %lt3A_305 = arith.cmpf olt, %select_n3A_203, %select_n3A_185 : vector<8x128xf32>
      %eq3A_306 = arith.cmpf oeq, %select_n3A_203, %select_n3A_185 : vector<8x128xf32>
      %lt3A_307 = arith.cmpi slt, %select_n3A_205, %select_n3A_187 : vector<8x128xi32>
      %and3A_308 = arith.andi %eq3A_306, %lt3A_307 : vector<8x128xi1>
      %or3A_309 = arith.ori %lt3A_305, %and3A_308 : vector<8x128xi1>
      %select_n3A_310 = arith.select %or3A_309, %select_n3A_203, %select_n3A_185 : vector<8x128xi1>, vector<8x128xf32>
      %select_n3A_311 = arith.select %or3A_309, %select_n3A_185, %select_n3A_203 : vector<8x128xi1>, vector<8x128xf32>
      %select_n3A_312 = arith.select %or3A_309, %select_n3A_205, %select_n3A_187 : vector<8x128xi1>, vector<8x128xi32>
      %select_n3A_313 = arith.select %or3A_309, %select_n3A_187, %select_n3A_205 : vector<8x128xi1>, vector<8x128xi32>
      %lt3A_314 = arith.cmpf olt, %select_n3A_229, %select_n3A_211 : vector<8x128xf32>
      %eq3A_315 = arith.cmpf oeq, %select_n3A_229, %select_n3A_211 : vector<8x128xf32>
      %lt3A_316 = arith.cmpi slt, %select_n3A_231, %select_n3A_213 : vector<8x128xi32>
      %and3A_317 = arith.andi %eq3A_315, %lt3A_316 : vector<8x128xi1>
      %or3A_318 = arith.ori %lt3A_314, %and3A_317 : vector<8x128xi1>
      %select_n3A_319 = arith.select %or3A_318, %select_n3A_229, %select_n3A_211 : vector<8x128xi1>, vector<8x128xf32>
      %select_n3A_320 = arith.select %or3A_318, %select_n3A_211, %select_n3A_229 : vector<8x128xi1>, vector<8x128xf32>
      %select_n3A_321 = arith.select %or3A_318, %select_n3A_231, %select_n3A_213 : vector<8x128xi1>, vector<8x128xi32>
      %select_n3A_322 = arith.select %or3A_318, %select_n3A_213, %select_n3A_231 : vector<8x128xi1>, vector<8x128xi32>
      %lt3A_323 = arith.cmpf olt, %select_n3A_274, %select_n3A_265 : vector<8x128xf32>
      %eq3A_324 = arith.cmpf oeq, %select_n3A_274, %select_n3A_265 : vector<8x128xf32>
      %lt3A_325 = arith.cmpi slt, %select_n3A_276, %select_n3A_267 : vector<8x128xi32>
      %and3A_326 = arith.andi %eq3A_324, %lt3A_325 : vector<8x128xi1>
      %or3A_327 = arith.ori %lt3A_323, %and3A_326 : vector<8x128xi1>
      %select_n3A_328 = arith.select %or3A_327, %select_n3A_274, %select_n3A_265 : vector<8x128xi1>, vector<8x128xf32>
      %select_n3A_329 = arith.select %or3A_327, %select_n3A_265, %select_n3A_274 : vector<8x128xi1>, vector<8x128xf32>
      %select_n3A_330 = arith.select %or3A_327, %select_n3A_276, %select_n3A_267 : vector<8x128xi1>, vector<8x128xi32>
      %select_n3A_331 = arith.select %or3A_327, %select_n3A_267, %select_n3A_276 : vector<8x128xi1>, vector<8x128xi32>
      %lt3A_332 = arith.cmpf olt, %select_n3A_275, %select_n3A_266 : vector<8x128xf32>
      %eq3A_333 = arith.cmpf oeq, %select_n3A_275, %select_n3A_266 : vector<8x128xf32>
      %lt3A_334 = arith.cmpi slt, %select_n3A_277, %select_n3A_268 : vector<8x128xi32>
      %and3A_335 = arith.andi %eq3A_333, %lt3A_334 : vector<8x128xi1>
      %or3A_336 = arith.ori %lt3A_332, %and3A_335 : vector<8x128xi1>
      %select_n3A_337 = arith.select %or3A_336, %select_n3A_275, %select_n3A_266 : vector<8x128xi1>, vector<8x128xf32>
      %select_n3A_338 = arith.select %or3A_336, %select_n3A_266, %select_n3A_275 : vector<8x128xi1>, vector<8x128xf32>
      %select_n3A_339 = arith.select %or3A_336, %select_n3A_277, %select_n3A_268 : vector<8x128xi1>, vector<8x128xi32>
      %select_n3A_340 = arith.select %or3A_336, %select_n3A_268, %select_n3A_277 : vector<8x128xi1>, vector<8x128xi32>
      %lt3A_341 = arith.cmpf olt, %select_n3A_239, %select_n3A_221 : vector<8x128xf32>
      %eq3A_342 = arith.cmpf oeq, %select_n3A_239, %select_n3A_221 : vector<8x128xf32>
      %lt3A_343 = arith.cmpi slt, %select_n3A_241, %select_n3A_223 : vector<8x128xi32>
      %and3A_344 = arith.andi %eq3A_342, %lt3A_343 : vector<8x128xi1>
      %or3A_345 = arith.ori %lt3A_341, %and3A_344 : vector<8x128xi1>
      %select_n3A_346 = arith.select %or3A_345, %select_n3A_239, %select_n3A_221 : vector<8x128xi1>, vector<8x128xf32>
      %select_n3A_347 = arith.select %or3A_345, %select_n3A_221, %select_n3A_239 : vector<8x128xi1>, vector<8x128xf32>
      %select_n3A_348 = arith.select %or3A_345, %select_n3A_241, %select_n3A_223 : vector<8x128xi1>, vector<8x128xi32>
      %select_n3A_349 = arith.select %or3A_345, %select_n3A_223, %select_n3A_241 : vector<8x128xi1>, vector<8x128xi32>
      %lt3A_350 = arith.cmpf olt, %select_n3A_284, %select_n3A_301 : vector<8x128xf32>
      %eq3A_351 = arith.cmpf oeq, %select_n3A_284, %select_n3A_301 : vector<8x128xf32>
      %lt3A_352 = arith.cmpi slt, %select_n3A_286, %select_n3A_303 : vector<8x128xi32>
      %and3A_353 = arith.andi %eq3A_351, %lt3A_352 : vector<8x128xi1>
      %or3A_354 = arith.ori %lt3A_350, %and3A_353 : vector<8x128xi1>
      %select_n3A_355 = arith.select %or3A_354, %select_n3A_284, %select_n3A_301 : vector<8x128xi1>, vector<8x128xf32>
      %select_n3A_356 = arith.select %or3A_354, %select_n3A_301, %select_n3A_284 : vector<8x128xi1>, vector<8x128xf32>
      %select_n3A_357 = arith.select %or3A_354, %select_n3A_286, %select_n3A_303 : vector<8x128xi1>, vector<8x128xi32>
      %select_n3A_358 = arith.select %or3A_354, %select_n3A_303, %select_n3A_286 : vector<8x128xi1>, vector<8x128xi32>
      %lt3A_359 = arith.cmpf olt, %select_n3A_293, %select_n3A_310 : vector<8x128xf32>
      %eq3A_360 = arith.cmpf oeq, %select_n3A_293, %select_n3A_310 : vector<8x128xf32>
      %lt3A_361 = arith.cmpi slt, %select_n3A_295, %select_n3A_312 : vector<8x128xi32>
      %and3A_362 = arith.andi %eq3A_360, %lt3A_361 : vector<8x128xi1>
      %or3A_363 = arith.ori %lt3A_359, %and3A_362 : vector<8x128xi1>
      %select_n3A_364 = arith.select %or3A_363, %select_n3A_293, %select_n3A_310 : vector<8x128xi1>, vector<8x128xf32>
      %select_n3A_365 = arith.select %or3A_363, %select_n3A_310, %select_n3A_293 : vector<8x128xi1>, vector<8x128xf32>
      %select_n3A_366 = arith.select %or3A_363, %select_n3A_295, %select_n3A_312 : vector<8x128xi1>, vector<8x128xi32>
      %select_n3A_367 = arith.select %or3A_363, %select_n3A_312, %select_n3A_295 : vector<8x128xi1>, vector<8x128xi32>
      %lt3A_368 = arith.cmpf olt, %select_n3A_320, %select_n3A_337 : vector<8x128xf32>
      %eq3A_369 = arith.cmpf oeq, %select_n3A_320, %select_n3A_337 : vector<8x128xf32>
      %lt3A_370 = arith.cmpi slt, %select_n3A_322, %select_n3A_339 : vector<8x128xi32>
      %and3A_371 = arith.andi %eq3A_369, %lt3A_370 : vector<8x128xi1>
      %or3A_372 = arith.ori %lt3A_368, %and3A_371 : vector<8x128xi1>
      %select_n3A_373 = arith.select %or3A_372, %select_n3A_320, %select_n3A_337 : vector<8x128xi1>, vector<8x128xf32>
      %select_n3A_374 = arith.select %or3A_372, %select_n3A_337, %select_n3A_320 : vector<8x128xi1>, vector<8x128xf32>
      %select_n3A_375 = arith.select %or3A_372, %select_n3A_322, %select_n3A_339 : vector<8x128xi1>, vector<8x128xi32>
      %select_n3A_376 = arith.select %or3A_372, %select_n3A_339, %select_n3A_322 : vector<8x128xi1>, vector<8x128xi32>
      %lt3A_377 = arith.cmpf olt, %select_n3A_329, %select_n3A_346 : vector<8x128xf32>
      %eq3A_378 = arith.cmpf oeq, %select_n3A_329, %select_n3A_346 : vector<8x128xf32>
      %lt3A_379 = arith.cmpi slt, %select_n3A_331, %select_n3A_348 : vector<8x128xi32>
      %and3A_380 = arith.andi %eq3A_378, %lt3A_379 : vector<8x128xi1>
      %or3A_381 = arith.ori %lt3A_377, %and3A_380 : vector<8x128xi1>
      %select_n3A_382 = arith.select %or3A_381, %select_n3A_329, %select_n3A_346 : vector<8x128xi1>, vector<8x128xf32>
      %select_n3A_383 = arith.select %or3A_381, %select_n3A_346, %select_n3A_329 : vector<8x128xi1>, vector<8x128xf32>
      %select_n3A_384 = arith.select %or3A_381, %select_n3A_331, %select_n3A_348 : vector<8x128xi1>, vector<8x128xi32>
      %select_n3A_385 = arith.select %or3A_381, %select_n3A_348, %select_n3A_331 : vector<8x128xi1>, vector<8x128xi32>
      %lt3A_386 = arith.cmpf olt, %select_n3A_355, %select_n3A_292 : vector<8x128xf32>
      %eq3A_387 = arith.cmpf oeq, %select_n3A_355, %select_n3A_292 : vector<8x128xf32>
      %lt3A_388 = arith.cmpi slt, %select_n3A_357, %select_n3A_294 : vector<8x128xi32>
      %and3A_389 = arith.andi %eq3A_387, %lt3A_388 : vector<8x128xi1>
      %or3A_390 = arith.ori %lt3A_386, %and3A_389 : vector<8x128xi1>
      %select_n3A_391 = arith.select %or3A_390, %select_n3A_355, %select_n3A_292 : vector<8x128xi1>, vector<8x128xf32>
      %select_n3A_392 = arith.select %or3A_390, %select_n3A_292, %select_n3A_355 : vector<8x128xi1>, vector<8x128xf32>
      %select_n3A_393 = arith.select %or3A_390, %select_n3A_357, %select_n3A_294 : vector<8x128xi1>, vector<8x128xi32>
      %select_n3A_394 = arith.select %or3A_390, %select_n3A_294, %select_n3A_357 : vector<8x128xi1>, vector<8x128xi32>
      %lt3A_395 = arith.cmpf olt, %select_n3A_356, %select_n3A_364 : vector<8x128xf32>
      %eq3A_396 = arith.cmpf oeq, %select_n3A_356, %select_n3A_364 : vector<8x128xf32>
      %lt3A_397 = arith.cmpi slt, %select_n3A_358, %select_n3A_366 : vector<8x128xi32>
      %and3A_398 = arith.andi %eq3A_396, %lt3A_397 : vector<8x128xi1>
      %or3A_399 = arith.ori %lt3A_395, %and3A_398 : vector<8x128xi1>
      %select_n3A_400 = arith.select %or3A_399, %select_n3A_356, %select_n3A_364 : vector<8x128xi1>, vector<8x128xf32>
      %select_n3A_401 = arith.select %or3A_399, %select_n3A_364, %select_n3A_356 : vector<8x128xi1>, vector<8x128xf32>
      %select_n3A_402 = arith.select %or3A_399, %select_n3A_358, %select_n3A_366 : vector<8x128xi1>, vector<8x128xi32>
      %select_n3A_403 = arith.select %or3A_399, %select_n3A_366, %select_n3A_358 : vector<8x128xi1>, vector<8x128xi32>
      %lt3A_404 = arith.cmpf olt, %select_n3A_302, %select_n3A_365 : vector<8x128xf32>
      %eq3A_405 = arith.cmpf oeq, %select_n3A_302, %select_n3A_365 : vector<8x128xf32>
      %lt3A_406 = arith.cmpi slt, %select_n3A_304, %select_n3A_367 : vector<8x128xi32>
      %and3A_407 = arith.andi %eq3A_405, %lt3A_406 : vector<8x128xi1>
      %or3A_408 = arith.ori %lt3A_404, %and3A_407 : vector<8x128xi1>
      %select_n3A_409 = arith.select %or3A_408, %select_n3A_302, %select_n3A_365 : vector<8x128xi1>, vector<8x128xf32>
      %select_n3A_410 = arith.select %or3A_408, %select_n3A_365, %select_n3A_302 : vector<8x128xi1>, vector<8x128xf32>
      %select_n3A_411 = arith.select %or3A_408, %select_n3A_304, %select_n3A_367 : vector<8x128xi1>, vector<8x128xi32>
      %select_n3A_412 = arith.select %or3A_408, %select_n3A_367, %select_n3A_304 : vector<8x128xi1>, vector<8x128xi32>
      %lt3A_413 = arith.cmpf olt, %select_n3A_373, %select_n3A_328 : vector<8x128xf32>
      %eq3A_414 = arith.cmpf oeq, %select_n3A_373, %select_n3A_328 : vector<8x128xf32>
      %lt3A_415 = arith.cmpi slt, %select_n3A_375, %select_n3A_330 : vector<8x128xi32>
      %and3A_416 = arith.andi %eq3A_414, %lt3A_415 : vector<8x128xi1>
      %or3A_417 = arith.ori %lt3A_413, %and3A_416 : vector<8x128xi1>
      %select_n3A_418 = arith.select %or3A_417, %select_n3A_373, %select_n3A_328 : vector<8x128xi1>, vector<8x128xf32>
      %select_n3A_419 = arith.select %or3A_417, %select_n3A_328, %select_n3A_373 : vector<8x128xi1>, vector<8x128xf32>
      %select_n3A_420 = arith.select %or3A_417, %select_n3A_375, %select_n3A_330 : vector<8x128xi1>, vector<8x128xi32>
      %select_n3A_421 = arith.select %or3A_417, %select_n3A_330, %select_n3A_375 : vector<8x128xi1>, vector<8x128xi32>
      %lt3A_422 = arith.cmpf olt, %select_n3A_374, %select_n3A_382 : vector<8x128xf32>
      %eq3A_423 = arith.cmpf oeq, %select_n3A_374, %select_n3A_382 : vector<8x128xf32>
      %lt3A_424 = arith.cmpi slt, %select_n3A_376, %select_n3A_384 : vector<8x128xi32>
      %and3A_425 = arith.andi %eq3A_423, %lt3A_424 : vector<8x128xi1>
      %or3A_426 = arith.ori %lt3A_422, %and3A_425 : vector<8x128xi1>
      %select_n3A_427 = arith.select %or3A_426, %select_n3A_374, %select_n3A_382 : vector<8x128xi1>, vector<8x128xf32>
      %select_n3A_428 = arith.select %or3A_426, %select_n3A_382, %select_n3A_374 : vector<8x128xi1>, vector<8x128xf32>
      %select_n3A_429 = arith.select %or3A_426, %select_n3A_376, %select_n3A_384 : vector<8x128xi1>, vector<8x128xi32>
      %select_n3A_430 = arith.select %or3A_426, %select_n3A_384, %select_n3A_376 : vector<8x128xi1>, vector<8x128xi32>
      %lt3A_431 = arith.cmpf olt, %select_n3A_338, %select_n3A_383 : vector<8x128xf32>
      %eq3A_432 = arith.cmpf oeq, %select_n3A_338, %select_n3A_383 : vector<8x128xf32>
      %lt3A_433 = arith.cmpi slt, %select_n3A_340, %select_n3A_385 : vector<8x128xi32>
      %and3A_434 = arith.andi %eq3A_432, %lt3A_433 : vector<8x128xi1>
      %or3A_435 = arith.ori %lt3A_431, %and3A_434 : vector<8x128xi1>
      %select_n3A_436 = arith.select %or3A_435, %select_n3A_338, %select_n3A_383 : vector<8x128xi1>, vector<8x128xf32>
      %select_n3A_437 = arith.select %or3A_435, %select_n3A_383, %select_n3A_338 : vector<8x128xi1>, vector<8x128xf32>
      %select_n3A_438 = arith.select %or3A_435, %select_n3A_340, %select_n3A_385 : vector<8x128xi1>, vector<8x128xi32>
      %select_n3A_439 = arith.select %or3A_435, %select_n3A_385, %select_n3A_340 : vector<8x128xi1>, vector<8x128xi32>
      %lt3A_440 = arith.cmpf olt, %select_n3A_319, %select_n3A_283 : vector<8x128xf32>
      %eq3A_441 = arith.cmpf oeq, %select_n3A_319, %select_n3A_283 : vector<8x128xf32>
      %lt3A_442 = arith.cmpi slt, %select_n3A_321, %select_n3A_285 : vector<8x128xi32>
      %and3A_443 = arith.andi %eq3A_441, %lt3A_442 : vector<8x128xi1>
      %or3A_444 = arith.ori %lt3A_440, %and3A_443 : vector<8x128xi1>
      %select_n3A_445 = arith.select %or3A_444, %select_n3A_319, %select_n3A_283 : vector<8x128xi1>, vector<8x128xf32>
      %select_n3A_446 = arith.select %or3A_444, %select_n3A_283, %select_n3A_319 : vector<8x128xi1>, vector<8x128xf32>
      %select_n3A_447 = arith.select %or3A_444, %select_n3A_321, %select_n3A_285 : vector<8x128xi1>, vector<8x128xi32>
      %select_n3A_448 = arith.select %or3A_444, %select_n3A_285, %select_n3A_321 : vector<8x128xi1>, vector<8x128xi32>
      %lt3A_449 = arith.cmpf olt, %select_n3A_418, %select_n3A_391 : vector<8x128xf32>
      %eq3A_450 = arith.cmpf oeq, %select_n3A_418, %select_n3A_391 : vector<8x128xf32>
      %lt3A_451 = arith.cmpi slt, %select_n3A_420, %select_n3A_393 : vector<8x128xi32>
      %and3A_452 = arith.andi %eq3A_450, %lt3A_451 : vector<8x128xi1>
      %or3A_453 = arith.ori %lt3A_449, %and3A_452 : vector<8x128xi1>
      %select_n3A_454 = arith.select %or3A_453, %select_n3A_418, %select_n3A_391 : vector<8x128xi1>, vector<8x128xf32>
      %select_n3A_455 = arith.select %or3A_453, %select_n3A_391, %select_n3A_418 : vector<8x128xi1>, vector<8x128xf32>
      %select_n3A_456 = arith.select %or3A_453, %select_n3A_420, %select_n3A_393 : vector<8x128xi1>, vector<8x128xi32>
      %select_n3A_457 = arith.select %or3A_453, %select_n3A_393, %select_n3A_420 : vector<8x128xi1>, vector<8x128xi32>
      %lt3A_458 = arith.cmpf olt, %select_n3A_419, %select_n3A_392 : vector<8x128xf32>
      %eq3A_459 = arith.cmpf oeq, %select_n3A_419, %select_n3A_392 : vector<8x128xf32>
      %lt3A_460 = arith.cmpi slt, %select_n3A_421, %select_n3A_394 : vector<8x128xi32>
      %and3A_461 = arith.andi %eq3A_459, %lt3A_460 : vector<8x128xi1>
      %or3A_462 = arith.ori %lt3A_458, %and3A_461 : vector<8x128xi1>
      %select_n3A_463 = arith.select %or3A_462, %select_n3A_419, %select_n3A_392 : vector<8x128xi1>, vector<8x128xf32>
      %select_n3A_464 = arith.select %or3A_462, %select_n3A_392, %select_n3A_419 : vector<8x128xi1>, vector<8x128xf32>
      %select_n3A_465 = arith.select %or3A_462, %select_n3A_421, %select_n3A_394 : vector<8x128xi1>, vector<8x128xi32>
      %select_n3A_466 = arith.select %or3A_462, %select_n3A_394, %select_n3A_421 : vector<8x128xi1>, vector<8x128xi32>
      %lt3A_467 = arith.cmpf olt, %select_n3A_427, %select_n3A_400 : vector<8x128xf32>
      %eq3A_468 = arith.cmpf oeq, %select_n3A_427, %select_n3A_400 : vector<8x128xf32>
      %lt3A_469 = arith.cmpi slt, %select_n3A_429, %select_n3A_402 : vector<8x128xi32>
      %and3A_470 = arith.andi %eq3A_468, %lt3A_469 : vector<8x128xi1>
      %or3A_471 = arith.ori %lt3A_467, %and3A_470 : vector<8x128xi1>
      %select_n3A_472 = arith.select %or3A_471, %select_n3A_427, %select_n3A_400 : vector<8x128xi1>, vector<8x128xf32>
      %select_n3A_473 = arith.select %or3A_471, %select_n3A_400, %select_n3A_427 : vector<8x128xi1>, vector<8x128xf32>
      %select_n3A_474 = arith.select %or3A_471, %select_n3A_429, %select_n3A_402 : vector<8x128xi1>, vector<8x128xi32>
      %select_n3A_475 = arith.select %or3A_471, %select_n3A_402, %select_n3A_429 : vector<8x128xi1>, vector<8x128xi32>
      %lt3A_476 = arith.cmpf olt, %select_n3A_428, %select_n3A_401 : vector<8x128xf32>
      %eq3A_477 = arith.cmpf oeq, %select_n3A_428, %select_n3A_401 : vector<8x128xf32>
      %lt3A_478 = arith.cmpi slt, %select_n3A_430, %select_n3A_403 : vector<8x128xi32>
      %and3A_479 = arith.andi %eq3A_477, %lt3A_478 : vector<8x128xi1>
      %or3A_480 = arith.ori %lt3A_476, %and3A_479 : vector<8x128xi1>
      %select_n3A_481 = arith.select %or3A_480, %select_n3A_428, %select_n3A_401 : vector<8x128xi1>, vector<8x128xf32>
      %select_n3A_482 = arith.select %or3A_480, %select_n3A_401, %select_n3A_428 : vector<8x128xi1>, vector<8x128xf32>
      %select_n3A_483 = arith.select %or3A_480, %select_n3A_430, %select_n3A_403 : vector<8x128xi1>, vector<8x128xi32>
      %select_n3A_484 = arith.select %or3A_480, %select_n3A_403, %select_n3A_430 : vector<8x128xi1>, vector<8x128xi32>
      %lt3A_485 = arith.cmpf olt, %select_n3A_436, %select_n3A_409 : vector<8x128xf32>
      %eq3A_486 = arith.cmpf oeq, %select_n3A_436, %select_n3A_409 : vector<8x128xf32>
      %lt3A_487 = arith.cmpi slt, %select_n3A_438, %select_n3A_411 : vector<8x128xi32>
      %and3A_488 = arith.andi %eq3A_486, %lt3A_487 : vector<8x128xi1>
      %or3A_489 = arith.ori %lt3A_485, %and3A_488 : vector<8x128xi1>
      %select_n3A_490 = arith.select %or3A_489, %select_n3A_436, %select_n3A_409 : vector<8x128xi1>, vector<8x128xf32>
      %select_n3A_491 = arith.select %or3A_489, %select_n3A_409, %select_n3A_436 : vector<8x128xi1>, vector<8x128xf32>
      %select_n3A_492 = arith.select %or3A_489, %select_n3A_438, %select_n3A_411 : vector<8x128xi1>, vector<8x128xi32>
      %select_n3A_493 = arith.select %or3A_489, %select_n3A_411, %select_n3A_438 : vector<8x128xi1>, vector<8x128xi32>
      %lt3A_494 = arith.cmpf olt, %select_n3A_437, %select_n3A_410 : vector<8x128xf32>
      %eq3A_495 = arith.cmpf oeq, %select_n3A_437, %select_n3A_410 : vector<8x128xf32>
      %lt3A_496 = arith.cmpi slt, %select_n3A_439, %select_n3A_412 : vector<8x128xi32>
      %and3A_497 = arith.andi %eq3A_495, %lt3A_496 : vector<8x128xi1>
      %or3A_498 = arith.ori %lt3A_494, %and3A_497 : vector<8x128xi1>
      %select_n3A_499 = arith.select %or3A_498, %select_n3A_437, %select_n3A_410 : vector<8x128xi1>, vector<8x128xf32>
      %select_n3A_500 = arith.select %or3A_498, %select_n3A_410, %select_n3A_437 : vector<8x128xi1>, vector<8x128xf32>
      %select_n3A_501 = arith.select %or3A_498, %select_n3A_439, %select_n3A_412 : vector<8x128xi1>, vector<8x128xi32>
      %select_n3A_502 = arith.select %or3A_498, %select_n3A_412, %select_n3A_439 : vector<8x128xi1>, vector<8x128xi32>
      %lt3A_503 = arith.cmpf olt, %select_n3A_347, %select_n3A_311 : vector<8x128xf32>
      %eq3A_504 = arith.cmpf oeq, %select_n3A_347, %select_n3A_311 : vector<8x128xf32>
      %lt3A_505 = arith.cmpi slt, %select_n3A_349, %select_n3A_313 : vector<8x128xi32>
      %and3A_506 = arith.andi %eq3A_504, %lt3A_505 : vector<8x128xi1>
      %or3A_507 = arith.ori %lt3A_503, %and3A_506 : vector<8x128xi1>
      %select_n3A_508 = arith.select %or3A_507, %select_n3A_347, %select_n3A_311 : vector<8x128xi1>, vector<8x128xf32>
      %select_n3A_509 = arith.select %or3A_507, %select_n3A_311, %select_n3A_347 : vector<8x128xi1>, vector<8x128xf32>
      %select_n3A_510 = arith.select %or3A_507, %select_n3A_349, %select_n3A_313 : vector<8x128xi1>, vector<8x128xi32>
      %select_n3A_511 = arith.select %or3A_507, %select_n3A_313, %select_n3A_349 : vector<8x128xi1>, vector<8x128xi32>
      %lt3A_512 = arith.cmpf olt, %select_n3A_446, %select_n3A_481 : vector<8x128xf32>
      %eq3A_513 = arith.cmpf oeq, %select_n3A_446, %select_n3A_481 : vector<8x128xf32>
      %lt3A_514 = arith.cmpi slt, %select_n3A_448, %select_n3A_483 : vector<8x128xi32>
      %and3A_515 = arith.andi %eq3A_513, %lt3A_514 : vector<8x128xi1>
      %or3A_516 = arith.ori %lt3A_512, %and3A_515 : vector<8x128xi1>
      %select_n3A_517 = arith.select %or3A_516, %select_n3A_446, %select_n3A_481 : vector<8x128xi1>, vector<8x128xf32>
      %select_n3A_518 = arith.select %or3A_516, %select_n3A_481, %select_n3A_446 : vector<8x128xi1>, vector<8x128xf32>
      %select_n3A_519 = arith.select %or3A_516, %select_n3A_448, %select_n3A_483 : vector<8x128xi1>, vector<8x128xi32>
      %select_n3A_520 = arith.select %or3A_516, %select_n3A_483, %select_n3A_448 : vector<8x128xi1>, vector<8x128xi32>
      %lt3A_521 = arith.cmpf olt, %select_n3A_455, %select_n3A_490 : vector<8x128xf32>
      %eq3A_522 = arith.cmpf oeq, %select_n3A_455, %select_n3A_490 : vector<8x128xf32>
      %lt3A_523 = arith.cmpi slt, %select_n3A_457, %select_n3A_492 : vector<8x128xi32>
      %and3A_524 = arith.andi %eq3A_522, %lt3A_523 : vector<8x128xi1>
      %or3A_525 = arith.ori %lt3A_521, %and3A_524 : vector<8x128xi1>
      %select_n3A_526 = arith.select %or3A_525, %select_n3A_455, %select_n3A_490 : vector<8x128xi1>, vector<8x128xf32>
      %select_n3A_527 = arith.select %or3A_525, %select_n3A_490, %select_n3A_455 : vector<8x128xi1>, vector<8x128xf32>
      %select_n3A_528 = arith.select %or3A_525, %select_n3A_457, %select_n3A_492 : vector<8x128xi1>, vector<8x128xi32>
      %select_n3A_529 = arith.select %or3A_525, %select_n3A_492, %select_n3A_457 : vector<8x128xi1>, vector<8x128xi32>
      %lt3A_530 = arith.cmpf olt, %select_n3A_464, %select_n3A_499 : vector<8x128xf32>
      %eq3A_531 = arith.cmpf oeq, %select_n3A_464, %select_n3A_499 : vector<8x128xf32>
      %lt3A_532 = arith.cmpi slt, %select_n3A_466, %select_n3A_501 : vector<8x128xi32>
      %and3A_533 = arith.andi %eq3A_531, %lt3A_532 : vector<8x128xi1>
      %or3A_534 = arith.ori %lt3A_530, %and3A_533 : vector<8x128xi1>
      %select_n3A_535 = arith.select %or3A_534, %select_n3A_464, %select_n3A_499 : vector<8x128xi1>, vector<8x128xf32>
      %select_n3A_536 = arith.select %or3A_534, %select_n3A_499, %select_n3A_464 : vector<8x128xi1>, vector<8x128xf32>
      %select_n3A_537 = arith.select %or3A_534, %select_n3A_466, %select_n3A_501 : vector<8x128xi1>, vector<8x128xi32>
      %select_n3A_538 = arith.select %or3A_534, %select_n3A_501, %select_n3A_466 : vector<8x128xi1>, vector<8x128xi32>
      %lt3A_539 = arith.cmpf olt, %select_n3A_473, %select_n3A_508 : vector<8x128xf32>
      %eq3A_540 = arith.cmpf oeq, %select_n3A_473, %select_n3A_508 : vector<8x128xf32>
      %lt3A_541 = arith.cmpi slt, %select_n3A_475, %select_n3A_510 : vector<8x128xi32>
      %and3A_542 = arith.andi %eq3A_540, %lt3A_541 : vector<8x128xi1>
      %or3A_543 = arith.ori %lt3A_539, %and3A_542 : vector<8x128xi1>
      %select_n3A_544 = arith.select %or3A_543, %select_n3A_473, %select_n3A_508 : vector<8x128xi1>, vector<8x128xf32>
      %select_n3A_545 = arith.select %or3A_543, %select_n3A_508, %select_n3A_473 : vector<8x128xi1>, vector<8x128xf32>
      %select_n3A_546 = arith.select %or3A_543, %select_n3A_475, %select_n3A_510 : vector<8x128xi1>, vector<8x128xi32>
      %select_n3A_547 = arith.select %or3A_543, %select_n3A_510, %select_n3A_475 : vector<8x128xi1>, vector<8x128xi32>
      %lt3A_548 = arith.cmpf olt, %select_n3A_517, %select_n3A_463 : vector<8x128xf32>
      %eq3A_549 = arith.cmpf oeq, %select_n3A_517, %select_n3A_463 : vector<8x128xf32>
      %lt3A_550 = arith.cmpi slt, %select_n3A_519, %select_n3A_465 : vector<8x128xi32>
      %and3A_551 = arith.andi %eq3A_549, %lt3A_550 : vector<8x128xi1>
      %or3A_552 = arith.ori %lt3A_548, %and3A_551 : vector<8x128xi1>
      %select_n3A_553 = arith.select %or3A_552, %select_n3A_517, %select_n3A_463 : vector<8x128xi1>, vector<8x128xf32>
      %select_n3A_554 = arith.select %or3A_552, %select_n3A_463, %select_n3A_517 : vector<8x128xi1>, vector<8x128xf32>
      %select_n3A_555 = arith.select %or3A_552, %select_n3A_519, %select_n3A_465 : vector<8x128xi1>, vector<8x128xi32>
      %select_n3A_556 = arith.select %or3A_552, %select_n3A_465, %select_n3A_519 : vector<8x128xi1>, vector<8x128xi32>
      %lt3A_557 = arith.cmpf olt, %select_n3A_526, %select_n3A_472 : vector<8x128xf32>
      %eq3A_558 = arith.cmpf oeq, %select_n3A_526, %select_n3A_472 : vector<8x128xf32>
      %lt3A_559 = arith.cmpi slt, %select_n3A_528, %select_n3A_474 : vector<8x128xi32>
      %and3A_560 = arith.andi %eq3A_558, %lt3A_559 : vector<8x128xi1>
      %or3A_561 = arith.ori %lt3A_557, %and3A_560 : vector<8x128xi1>
      %select_n3A_562 = arith.select %or3A_561, %select_n3A_526, %select_n3A_472 : vector<8x128xi1>, vector<8x128xf32>
      %select_n3A_563 = arith.select %or3A_561, %select_n3A_472, %select_n3A_526 : vector<8x128xi1>, vector<8x128xf32>
      %select_n3A_564 = arith.select %or3A_561, %select_n3A_528, %select_n3A_474 : vector<8x128xi1>, vector<8x128xi32>
      %select_n3A_565 = arith.select %or3A_561, %select_n3A_474, %select_n3A_528 : vector<8x128xi1>, vector<8x128xi32>
      %lt3A_566 = arith.cmpf olt, %select_n3A_518, %select_n3A_535 : vector<8x128xf32>
      %eq3A_567 = arith.cmpf oeq, %select_n3A_518, %select_n3A_535 : vector<8x128xf32>
      %lt3A_568 = arith.cmpi slt, %select_n3A_520, %select_n3A_537 : vector<8x128xi32>
      %and3A_569 = arith.andi %eq3A_567, %lt3A_568 : vector<8x128xi1>
      %or3A_570 = arith.ori %lt3A_566, %and3A_569 : vector<8x128xi1>
      %select_n3A_571 = arith.select %or3A_570, %select_n3A_518, %select_n3A_535 : vector<8x128xi1>, vector<8x128xf32>
      %select_n3A_572 = arith.select %or3A_570, %select_n3A_535, %select_n3A_518 : vector<8x128xi1>, vector<8x128xf32>
      %select_n3A_573 = arith.select %or3A_570, %select_n3A_520, %select_n3A_537 : vector<8x128xi1>, vector<8x128xi32>
      %select_n3A_574 = arith.select %or3A_570, %select_n3A_537, %select_n3A_520 : vector<8x128xi1>, vector<8x128xi32>
      %lt3A_575 = arith.cmpf olt, %select_n3A_527, %select_n3A_544 : vector<8x128xf32>
      %eq3A_576 = arith.cmpf oeq, %select_n3A_527, %select_n3A_544 : vector<8x128xf32>
      %lt3A_577 = arith.cmpi slt, %select_n3A_529, %select_n3A_546 : vector<8x128xi32>
      %and3A_578 = arith.andi %eq3A_576, %lt3A_577 : vector<8x128xi1>
      %or3A_579 = arith.ori %lt3A_575, %and3A_578 : vector<8x128xi1>
      %select_n3A_580 = arith.select %or3A_579, %select_n3A_527, %select_n3A_544 : vector<8x128xi1>, vector<8x128xf32>
      %select_n3A_581 = arith.select %or3A_579, %select_n3A_544, %select_n3A_527 : vector<8x128xi1>, vector<8x128xf32>
      %select_n3A_582 = arith.select %or3A_579, %select_n3A_529, %select_n3A_546 : vector<8x128xi1>, vector<8x128xi32>
      %select_n3A_583 = arith.select %or3A_579, %select_n3A_546, %select_n3A_529 : vector<8x128xi1>, vector<8x128xi32>
      %lt3A_584 = arith.cmpf olt, %select_n3A_482, %select_n3A_536 : vector<8x128xf32>
      %eq3A_585 = arith.cmpf oeq, %select_n3A_482, %select_n3A_536 : vector<8x128xf32>
      %lt3A_586 = arith.cmpi slt, %select_n3A_484, %select_n3A_538 : vector<8x128xi32>
      %and3A_587 = arith.andi %eq3A_585, %lt3A_586 : vector<8x128xi1>
      %or3A_588 = arith.ori %lt3A_584, %and3A_587 : vector<8x128xi1>
      %select_n3A_589 = arith.select %or3A_588, %select_n3A_482, %select_n3A_536 : vector<8x128xi1>, vector<8x128xf32>
      %select_n3A_590 = arith.select %or3A_588, %select_n3A_536, %select_n3A_482 : vector<8x128xi1>, vector<8x128xf32>
      %select_n3A_591 = arith.select %or3A_588, %select_n3A_484, %select_n3A_538 : vector<8x128xi1>, vector<8x128xi32>
      %select_n3A_592 = arith.select %or3A_588, %select_n3A_538, %select_n3A_484 : vector<8x128xi1>, vector<8x128xi32>
      %lt3A_593 = arith.cmpf olt, %select_n3A_491, %select_n3A_545 : vector<8x128xf32>
      %eq3A_594 = arith.cmpf oeq, %select_n3A_491, %select_n3A_545 : vector<8x128xf32>
      %lt3A_595 = arith.cmpi slt, %select_n3A_493, %select_n3A_547 : vector<8x128xi32>
      %and3A_596 = arith.andi %eq3A_594, %lt3A_595 : vector<8x128xi1>
      %or3A_597 = arith.ori %lt3A_593, %and3A_596 : vector<8x128xi1>
      %select_n3A_598 = arith.select %or3A_597, %select_n3A_491, %select_n3A_545 : vector<8x128xi1>, vector<8x128xf32>
      %select_n3A_599 = arith.select %or3A_597, %select_n3A_545, %select_n3A_491 : vector<8x128xi1>, vector<8x128xf32>
      %select_n3A_600 = arith.select %or3A_597, %select_n3A_493, %select_n3A_547 : vector<8x128xi1>, vector<8x128xi32>
      %select_n3A_601 = arith.select %or3A_597, %select_n3A_547, %select_n3A_493 : vector<8x128xi1>, vector<8x128xi32>
      %lt3A_602 = arith.cmpf olt, %select_n3A_553, %select_n3A_454 : vector<8x128xf32>
      %eq3A_603 = arith.cmpf oeq, %select_n3A_553, %select_n3A_454 : vector<8x128xf32>
      %lt3A_604 = arith.cmpi slt, %select_n3A_555, %select_n3A_456 : vector<8x128xi32>
      %and3A_605 = arith.andi %eq3A_603, %lt3A_604 : vector<8x128xi1>
      %or3A_606 = arith.ori %lt3A_602, %and3A_605 : vector<8x128xi1>
      %select_n3A_607 = arith.select %or3A_606, %select_n3A_553, %select_n3A_454 : vector<8x128xi1>, vector<8x128xf32>
      %select_n3A_608 = arith.select %or3A_606, %select_n3A_454, %select_n3A_553 : vector<8x128xi1>, vector<8x128xf32>
      %select_n3A_609 = arith.select %or3A_606, %select_n3A_555, %select_n3A_456 : vector<8x128xi1>, vector<8x128xi32>
      %select_n3A_610 = arith.select %or3A_606, %select_n3A_456, %select_n3A_555 : vector<8x128xi1>, vector<8x128xi32>
      %lt3A_611 = arith.cmpf olt, %select_n3A_554, %select_n3A_562 : vector<8x128xf32>
      %eq3A_612 = arith.cmpf oeq, %select_n3A_554, %select_n3A_562 : vector<8x128xf32>
      %lt3A_613 = arith.cmpi slt, %select_n3A_556, %select_n3A_564 : vector<8x128xi32>
      %and3A_614 = arith.andi %eq3A_612, %lt3A_613 : vector<8x128xi1>
      %or3A_615 = arith.ori %lt3A_611, %and3A_614 : vector<8x128xi1>
      %select_n3A_616 = arith.select %or3A_615, %select_n3A_554, %select_n3A_562 : vector<8x128xi1>, vector<8x128xf32>
      %select_n3A_617 = arith.select %or3A_615, %select_n3A_562, %select_n3A_554 : vector<8x128xi1>, vector<8x128xf32>
      %select_n3A_618 = arith.select %or3A_615, %select_n3A_556, %select_n3A_564 : vector<8x128xi1>, vector<8x128xi32>
      %select_n3A_619 = arith.select %or3A_615, %select_n3A_564, %select_n3A_556 : vector<8x128xi1>, vector<8x128xi32>
      %lt3A_620 = arith.cmpf olt, %select_n3A_571, %select_n3A_563 : vector<8x128xf32>
      %eq3A_621 = arith.cmpf oeq, %select_n3A_571, %select_n3A_563 : vector<8x128xf32>
      %lt3A_622 = arith.cmpi slt, %select_n3A_573, %select_n3A_565 : vector<8x128xi32>
      %and3A_623 = arith.andi %eq3A_621, %lt3A_622 : vector<8x128xi1>
      %or3A_624 = arith.ori %lt3A_620, %and3A_623 : vector<8x128xi1>
      %select_n3A_625 = arith.select %or3A_624, %select_n3A_571, %select_n3A_563 : vector<8x128xi1>, vector<8x128xf32>
      %select_n3A_626 = arith.select %or3A_624, %select_n3A_563, %select_n3A_571 : vector<8x128xi1>, vector<8x128xf32>
      %select_n3A_627 = arith.select %or3A_624, %select_n3A_573, %select_n3A_565 : vector<8x128xi1>, vector<8x128xi32>
      %select_n3A_628 = arith.select %or3A_624, %select_n3A_565, %select_n3A_573 : vector<8x128xi1>, vector<8x128xi32>
      %lt3A_629 = arith.cmpf olt, %select_n3A_572, %select_n3A_580 : vector<8x128xf32>
      %eq3A_630 = arith.cmpf oeq, %select_n3A_572, %select_n3A_580 : vector<8x128xf32>
      %lt3A_631 = arith.cmpi slt, %select_n3A_574, %select_n3A_582 : vector<8x128xi32>
      %and3A_632 = arith.andi %eq3A_630, %lt3A_631 : vector<8x128xi1>
      %or3A_633 = arith.ori %lt3A_629, %and3A_632 : vector<8x128xi1>
      %select_n3A_634 = arith.select %or3A_633, %select_n3A_572, %select_n3A_580 : vector<8x128xi1>, vector<8x128xf32>
      %select_n3A_635 = arith.select %or3A_633, %select_n3A_580, %select_n3A_572 : vector<8x128xi1>, vector<8x128xf32>
      %select_n3A_636 = arith.select %or3A_633, %select_n3A_574, %select_n3A_582 : vector<8x128xi1>, vector<8x128xi32>
      %select_n3A_637 = arith.select %or3A_633, %select_n3A_582, %select_n3A_574 : vector<8x128xi1>, vector<8x128xi32>
      %lt3A_638 = arith.cmpf olt, %select_n3A_589, %select_n3A_581 : vector<8x128xf32>
      %eq3A_639 = arith.cmpf oeq, %select_n3A_589, %select_n3A_581 : vector<8x128xf32>
      %lt3A_640 = arith.cmpi slt, %select_n3A_591, %select_n3A_583 : vector<8x128xi32>
      %and3A_641 = arith.andi %eq3A_639, %lt3A_640 : vector<8x128xi1>
      %or3A_642 = arith.ori %lt3A_638, %and3A_641 : vector<8x128xi1>
      %select_n3A_643 = arith.select %or3A_642, %select_n3A_589, %select_n3A_581 : vector<8x128xi1>, vector<8x128xf32>
      %select_n3A_644 = arith.select %or3A_642, %select_n3A_581, %select_n3A_589 : vector<8x128xi1>, vector<8x128xf32>
      %select_n3A_645 = arith.select %or3A_642, %select_n3A_591, %select_n3A_583 : vector<8x128xi1>, vector<8x128xi32>
      %select_n3A_646 = arith.select %or3A_642, %select_n3A_583, %select_n3A_591 : vector<8x128xi1>, vector<8x128xi32>
      %lt3A_647 = arith.cmpf olt, %select_n3A_590, %select_n3A_598 : vector<8x128xf32>
      %eq3A_648 = arith.cmpf oeq, %select_n3A_590, %select_n3A_598 : vector<8x128xf32>
      %lt3A_649 = arith.cmpi slt, %select_n3A_592, %select_n3A_600 : vector<8x128xi32>
      %and3A_650 = arith.andi %eq3A_648, %lt3A_649 : vector<8x128xi1>
      %or3A_651 = arith.ori %lt3A_647, %and3A_650 : vector<8x128xi1>
      %select_n3A_652 = arith.select %or3A_651, %select_n3A_590, %select_n3A_598 : vector<8x128xi1>, vector<8x128xf32>
      %select_n3A_653 = arith.select %or3A_651, %select_n3A_598, %select_n3A_590 : vector<8x128xi1>, vector<8x128xf32>
      %select_n3A_654 = arith.select %or3A_651, %select_n3A_592, %select_n3A_600 : vector<8x128xi1>, vector<8x128xi32>
      %select_n3A_655 = arith.select %or3A_651, %select_n3A_600, %select_n3A_592 : vector<8x128xi1>, vector<8x128xi32>
      %lt3A_656 = arith.cmpf olt, %select_n3A_500, %select_n3A_599 : vector<8x128xf32>
      %eq3A_657 = arith.cmpf oeq, %select_n3A_500, %select_n3A_599 : vector<8x128xf32>
      %lt3A_658 = arith.cmpi slt, %select_n3A_502, %select_n3A_601 : vector<8x128xi32>
      %and3A_659 = arith.andi %eq3A_657, %lt3A_658 : vector<8x128xi1>
      %or3A_660 = arith.ori %lt3A_656, %and3A_659 : vector<8x128xi1>
      %select_n3A_661 = arith.select %or3A_660, %select_n3A_500, %select_n3A_599 : vector<8x128xi1>, vector<8x128xf32>
      %select_n3A_662 = arith.select %or3A_660, %select_n3A_599, %select_n3A_500 : vector<8x128xi1>, vector<8x128xf32>
      %select_n3A_663 = arith.select %or3A_660, %select_n3A_502, %select_n3A_601 : vector<8x128xi1>, vector<8x128xi32>
      %select_n3A_664 = arith.select %or3A_660, %select_n3A_601, %select_n3A_502 : vector<8x128xi1>, vector<8x128xi32>
      %reduce_min3A = arith.constant dense<0x7F800000> : vector<8xf32>
      %reduce_min3A_665 = vector.multi_reduction <minimumf>, %select_n3A_445, %reduce_min3A [1] : vector<8x128xf32> to vector<8xf32>
      %broadcast_in_dim3A_666 = vector.shape_cast %reduce_min3A_665 : vector<8xf32> to vector<8x1xf32>
      %eq3A_667 = vector.broadcast %broadcast_in_dim3A_666 : vector<8x1xf32> to vector<8x128xf32>
      %eq3A_668 = arith.cmpf oeq, %select_n3A_445, %eq3A_667 : vector<8x128xf32>
      %broadcast_in_dim3A_669 = vector.broadcast %scan3A : i32 to vector<8x128xi32>
      %select_n3A_670 = arith.select %eq3A_668, %select_n3A_447, %broadcast_in_dim3A_669 : vector<8x128xi1>, vector<8x128xi32>
      %reduce_min3A_671 = arith.constant dense<2147483647> : vector<8xi32>
      %reduce_min3A_672 = vector.multi_reduction <minsi>, %select_n3A_670, %reduce_min3A_671 [1] : vector<8x128xi32> to vector<8xi32>
      %broadcast_in_dim3A_673 = vector.shape_cast %reduce_min3A_672 : vector<8xi32> to vector<8x1xi32>
      %add3A_674 = vector.broadcast %mul3A_28 : i32 to vector<8x1xi32>
      %add3A_675 = arith.addi %broadcast_in_dim3A_673, %add3A_674 : vector<8x1xi32>
      %swap3A_676 = arith.constant 0 : index
      %swap3A_677 = arith.index_cast %mul3A_36 : i32 to index
      %swap3A_678 = arith.constant 0 : index
      %swap3A_679 = vector.load %arg5[%swap3A_676, %swap3A_677, %swap3A_678] : memref<1x256x16xi32, #tpu.memory_space<vmem>>, vector<1x8x1xi32>
      %swap3A_680 = vector.shape_cast %swap3A_679 : vector<1x8x1xi32> to vector<8x1xi32>
      %swap3A_681 = vector.shape_cast %add3A_675 : vector<8x1xi32> to vector<1x8x1xi32>
      tpu.vector_store %arg5[%swap3A_676, %swap3A_677, %swap3A_678], %swap3A_681 {strides = array<i32>} : memref<1x256x16xi32, #tpu.memory_space<vmem>>, vector<1x8x1xi32>,
      %eq3A_682 = vector.broadcast %broadcast_in_dim3A_673 : vector<8x1xi32> to vector<8x128xi32>
      %eq3A_683 = arith.cmpi eq, %select_n3A_447, %eq3A_682 : vector<8x128xi32>
      %and3A_684 = arith.andi %eq3A_668, %eq3A_683 : vector<8x128xi1>
      %select_n3A_685 = arith.select %and3A_684, %select_n3A_607, %select_n3A_445 : vector<8x128xi1>, vector<8x128xf32>
      %select_n3A_686 = arith.select %and3A_684, %select_n3A_609, %select_n3A_447 : vector<8x128xi1>, vector<8x128xi32>
      %select_n3A_687 = arith.select %and3A_684, %select_n3A_608, %select_n3A_607 : vector<8x128xi1>, vector<8x128xf32>
      %select_n3A_688 = arith.select %and3A_684, %select_n3A_610, %select_n3A_609 : vector<8x128xi1>, vector<8x128xi32>
      %select_n3A_689 = arith.select %and3A_684, %select_n3A_616, %select_n3A_608 : vector<8x128xi1>, vector<8x128xf32>
      %select_n3A_690 = arith.select %and3A_684, %select_n3A_618, %select_n3A_610 : vector<8x128xi1>, vector<8x128xi32>
      %select_n3A_691 = arith.select %and3A_684, %select_n3A_617, %select_n3A_616 : vector<8x128xi1>, vector<8x128xf32>
      %select_n3A_692 = arith.select %and3A_684, %select_n3A_619, %select_n3A_618 : vector<8x128xi1>, vector<8x128xi32>
      %select_n3A_693 = arith.select %and3A_684, %select_n3A_625, %select_n3A_617 : vector<8x128xi1>, vector<8x128xf32>
      %select_n3A_694 = arith.select %and3A_684, %select_n3A_627, %select_n3A_619 : vector<8x128xi1>, vector<8x128xi32>
      %select_n3A_695 = arith.select %and3A_684, %select_n3A_626, %select_n3A_625 : vector<8x128xi1>, vector<8x128xf32>
      %select_n3A_696 = arith.select %and3A_684, %select_n3A_628, %select_n3A_627 : vector<8x128xi1>, vector<8x128xi32>
      %select_n3A_697 = arith.select %and3A_684, %select_n3A_634, %select_n3A_626 : vector<8x128xi1>, vector<8x128xf32>
      %select_n3A_698 = arith.select %and3A_684, %select_n3A_636, %select_n3A_628 : vector<8x128xi1>, vector<8x128xi32>
      %select_n3A_699 = arith.select %and3A_684, %select_n3A_635, %select_n3A_634 : vector<8x128xi1>, vector<8x128xf32>
      %select_n3A_700 = arith.select %and3A_684, %select_n3A_637, %select_n3A_636 : vector<8x128xi1>, vector<8x128xi32>
      %select_n3A_701 = arith.select %and3A_684, %select_n3A_643, %select_n3A_635 : vector<8x128xi1>, vector<8x128xf32>
      %select_n3A_702 = arith.select %and3A_684, %select_n3A_645, %select_n3A_637 : vector<8x128xi1>, vector<8x128xi32>
      %select_n3A_703 = arith.select %and3A_684, %select_n3A_644, %select_n3A_643 : vector<8x128xi1>, vector<8x128xf32>
      %select_n3A_704 = arith.select %and3A_684, %select_n3A_646, %select_n3A_645 : vector<8x128xi1>, vector<8x128xi32>
      %select_n3A_705 = arith.select %and3A_684, %select_n3A_652, %select_n3A_644 : vector<8x128xi1>, vector<8x128xf32>
      %select_n3A_706 = arith.select %and3A_684, %select_n3A_654, %select_n3A_646 : vector<8x128xi1>, vector<8x128xi32>
      %select_n3A_707 = arith.select %and3A_684, %select_n3A_653, %select_n3A_652 : vector<8x128xi1>, vector<8x128xf32>
      %select_n3A_708 = arith.select %and3A_684, %select_n3A_655, %select_n3A_654 : vector<8x128xi1>, vector<8x128xi32>
      %select_n3A_709 = arith.select %and3A_684, %select_n3A_661, %select_n3A_653 : vector<8x128xi1>, vector<8x128xf32>
      %select_n3A_710 = arith.select %and3A_684, %select_n3A_663, %select_n3A_655 : vector<8x128xi1>, vector<8x128xi32>
      %select_n3A_711 = arith.select %and3A_684, %select_n3A_662, %select_n3A_661 : vector<8x128xi1>, vector<8x128xf32>
      %select_n3A_712 = arith.select %and3A_684, %select_n3A_664, %select_n3A_663 : vector<8x128xi1>, vector<8x128xi32>
      %select_n3A_713 = arith.select %and3A_684, %select_n3A_509, %select_n3A_662 : vector<8x128xi1>, vector<8x128xf32>
      %select_n3A_714 = arith.select %and3A_684, %select_n3A_511, %select_n3A_664 : vector<8x128xi1>, vector<8x128xi32>
      %reduce_min3A_715 = arith.constant dense<0x7F800000> : vector<8xf32>
      %reduce_min3A_716 = vector.multi_reduction <minimumf>, %select_n3A_685, %reduce_min3A_715 [1] : vector<8x128xf32> to vector<8xf32>
      %broadcast_in_dim3A_717 = vector.shape_cast %reduce_min3A_716 : vector<8xf32> to vector<8x1xf32>
      %eq3A_718 = vector.broadcast %broadcast_in_dim3A_717 : vector<8x1xf32> to vector<8x128xf32>
      %eq3A_719 = arith.cmpf oeq, %select_n3A_685, %eq3A_718 : vector<8x128xf32>
      %broadcast_in_dim3A_720 = vector.broadcast %scan3A : i32 to vector<8x128xi32>
      %select_n3A_721 = arith.select %eq3A_719, %select_n3A_686, %broadcast_in_dim3A_720 : vector<8x128xi1>, vector<8x128xi32>
      %reduce_min3A_722 = arith.constant dense<2147483647> : vector<8xi32>
      %reduce_min3A_723 = vector.multi_reduction <minsi>, %select_n3A_721, %reduce_min3A_722 [1] : vector<8x128xi32> to vector<8xi32>
      %broadcast_in_dim3A_724 = vector.shape_cast %reduce_min3A_723 : vector<8xi32> to vector<8x1xi32>
      %add3A_725 = vector.broadcast %mul3A_28 : i32 to vector<8x1xi32>
      %add3A_726 = arith.addi %broadcast_in_dim3A_724, %add3A_725 : vector<8x1xi32>
      %swap3A_727 = arith.constant 0 : index
      %swap3A_728 = arith.index_cast %mul3A_36 : i32 to index
      %swap3A_729 = arith.constant 1 : index
      %swap3A_730 = vector.load %arg5[%swap3A_727, %swap3A_728, %swap3A_729] : memref<1x256x16xi32, #tpu.memory_space<vmem>>, vector<1x8x1xi32>
      %swap3A_731 = vector.shape_cast %swap3A_730 : vector<1x8x1xi32> to vector<8x1xi32>
      %swap3A_732 = vector.shape_cast %add3A_726 : vector<8x1xi32> to vector<1x8x1xi32>
      tpu.vector_store %arg5[%swap3A_727, %swap3A_728, %swap3A_729], %swap3A_732 {strides = array<i32>} : memref<1x256x16xi32, #tpu.memory_space<vmem>>, vector<1x8x1xi32>,
      %eq3A_733 = vector.broadcast %broadcast_in_dim3A_724 : vector<8x1xi32> to vector<8x128xi32>
      %eq3A_734 = arith.cmpi eq, %select_n3A_686, %eq3A_733 : vector<8x128xi32>
      %and3A_735 = arith.andi %eq3A_719, %eq3A_734 : vector<8x128xi1>
      %select_n3A_736 = arith.select %and3A_735, %select_n3A_687, %select_n3A_685 : vector<8x128xi1>, vector<8x128xf32>
      %select_n3A_737 = arith.select %and3A_735, %select_n3A_688, %select_n3A_686 : vector<8x128xi1>, vector<8x128xi32>
      %select_n3A_738 = arith.select %and3A_735, %select_n3A_689, %select_n3A_687 : vector<8x128xi1>, vector<8x128xf32>
      %select_n3A_739 = arith.select %and3A_735, %select_n3A_690, %select_n3A_688 : vector<8x128xi1>, vector<8x128xi32>
      %select_n3A_740 = arith.select %and3A_735, %select_n3A_691, %select_n3A_689 : vector<8x128xi1>, vector<8x128xf32>
      %select_n3A_741 = arith.select %and3A_735, %select_n3A_692, %select_n3A_690 : vector<8x128xi1>, vector<8x128xi32>
      %select_n3A_742 = arith.select %and3A_735, %select_n3A_693, %select_n3A_691 : vector<8x128xi1>, vector<8x128xf32>
      %select_n3A_743 = arith.select %and3A_735, %select_n3A_694, %select_n3A_692 : vector<8x128xi1>, vector<8x128xi32>
      %select_n3A_744 = arith.select %and3A_735, %select_n3A_695, %select_n3A_693 : vector<8x128xi1>, vector<8x128xf32>
      %select_n3A_745 = arith.select %and3A_735, %select_n3A_696, %select_n3A_694 : vector<8x128xi1>, vector<8x128xi32>
      %select_n3A_746 = arith.select %and3A_735, %select_n3A_697, %select_n3A_695 : vector<8x128xi1>, vector<8x128xf32>
      %select_n3A_747 = arith.select %and3A_735, %select_n3A_698, %select_n3A_696 : vector<8x128xi1>, vector<8x128xi32>
      %select_n3A_748 = arith.select %and3A_735, %select_n3A_699, %select_n3A_697 : vector<8x128xi1>, vector<8x128xf32>
      %select_n3A_749 = arith.select %and3A_735, %select_n3A_700, %select_n3A_698 : vector<8x128xi1>, vector<8x128xi32>
      %select_n3A_750 = arith.select %and3A_735, %select_n3A_701, %select_n3A_699 : vector<8x128xi1>, vector<8x128xf32>
      %select_n3A_751 = arith.select %and3A_735, %select_n3A_702, %select_n3A_700 : vector<8x128xi1>, vector<8x128xi32>
      %select_n3A_752 = arith.select %and3A_735, %select_n3A_703, %select_n3A_701 : vector<8x128xi1>, vector<8x128xf32>
      %select_n3A_753 = arith.select %and3A_735, %select_n3A_704, %select_n3A_702 : vector<8x128xi1>, vector<8x128xi32>
      %select_n3A_754 = arith.select %and3A_735, %select_n3A_705, %select_n3A_703 : vector<8x128xi1>, vector<8x128xf32>
      %select_n3A_755 = arith.select %and3A_735, %select_n3A_706, %select_n3A_704 : vector<8x128xi1>, vector<8x128xi32>
      %select_n3A_756 = arith.select %and3A_735, %select_n3A_707, %select_n3A_705 : vector<8x128xi1>, vector<8x128xf32>
      %select_n3A_757 = arith.select %and3A_735, %select_n3A_708, %select_n3A_706 : vector<8x128xi1>, vector<8x128xi32>
      %select_n3A_758 = arith.select %and3A_735, %select_n3A_709, %select_n3A_707 : vector<8x128xi1>, vector<8x128xf32>
      %select_n3A_759 = arith.select %and3A_735, %select_n3A_710, %select_n3A_708 : vector<8x128xi1>, vector<8x128xi32>
      %select_n3A_760 = arith.select %and3A_735, %select_n3A_711, %select_n3A_709 : vector<8x128xi1>, vector<8x128xf32>
      %select_n3A_761 = arith.select %and3A_735, %select_n3A_712, %select_n3A_710 : vector<8x128xi1>, vector<8x128xi32>
      %select_n3A_762 = arith.select %and3A_735, %select_n3A_713, %select_n3A_711 : vector<8x128xi1>, vector<8x128xf32>
      %select_n3A_763 = arith.select %and3A_735, %select_n3A_714, %select_n3A_712 : vector<8x128xi1>, vector<8x128xi32>
      %reduce_min3A_764 = arith.constant dense<0x7F800000> : vector<8xf32>
      %reduce_min3A_765 = vector.multi_reduction <minimumf>, %select_n3A_736, %reduce_min3A_764 [1] : vector<8x128xf32> to vector<8xf32>
      %broadcast_in_dim3A_766 = vector.shape_cast %reduce_min3A_765 : vector<8xf32> to vector<8x1xf32>
      %eq3A_767 = vector.broadcast %broadcast_in_dim3A_766 : vector<8x1xf32> to vector<8x128xf32>
      %eq3A_768 = arith.cmpf oeq, %select_n3A_736, %eq3A_767 : vector<8x128xf32>
      %broadcast_in_dim3A_769 = vector.broadcast %scan3A : i32 to vector<8x128xi32>
      %select_n3A_770 = arith.select %eq3A_768, %select_n3A_737, %broadcast_in_dim3A_769 : vector<8x128xi1>, vector<8x128xi32>
      %reduce_min3A_771 = arith.constant dense<2147483647> : vector<8xi32>
      %reduce_min3A_772 = vector.multi_reduction <minsi>, %select_n3A_770, %reduce_min3A_771 [1] : vector<8x128xi32> to vector<8xi32>
      %broadcast_in_dim3A_773 = vector.shape_cast %reduce_min3A_772 : vector<8xi32> to vector<8x1xi32>
      %add3A_774 = vector.broadcast %mul3A_28 : i32 to vector<8x1xi32>
      %add3A_775 = arith.addi %broadcast_in_dim3A_773, %add3A_774 : vector<8x1xi32>
      %swap3A_776 = arith.constant 0 : index
      %swap3A_777 = arith.index_cast %mul3A_36 : i32 to index
      %swap3A_778 = arith.constant 2 : index
      %swap3A_779 = vector.load %arg5[%swap3A_776, %swap3A_777, %swap3A_778] : memref<1x256x16xi32, #tpu.memory_space<vmem>>, vector<1x8x1xi32>
      %swap3A_780 = vector.shape_cast %swap3A_779 : vector<1x8x1xi32> to vector<8x1xi32>
      %swap3A_781 = vector.shape_cast %add3A_775 : vector<8x1xi32> to vector<1x8x1xi32>
      tpu.vector_store %arg5[%swap3A_776, %swap3A_777, %swap3A_778], %swap3A_781 {strides = array<i32>} : memref<1x256x16xi32, #tpu.memory_space<vmem>>, vector<1x8x1xi32>,
      %eq3A_782 = vector.broadcast %broadcast_in_dim3A_773 : vector<8x1xi32> to vector<8x128xi32>
      %eq3A_783 = arith.cmpi eq, %select_n3A_737, %eq3A_782 : vector<8x128xi32>
      %and3A_784 = arith.andi %eq3A_768, %eq3A_783 : vector<8x128xi1>
      %select_n3A_785 = arith.select %and3A_784, %select_n3A_738, %select_n3A_736 : vector<8x128xi1>, vector<8x128xf32>
      %select_n3A_786 = arith.select %and3A_784, %select_n3A_739, %select_n3A_737 : vector<8x128xi1>, vector<8x128xi32>
      %select_n3A_787 = arith.select %and3A_784, %select_n3A_740, %select_n3A_738 : vector<8x128xi1>, vector<8x128xf32>
      %select_n3A_788 = arith.select %and3A_784, %select_n3A_741, %select_n3A_739 : vector<8x128xi1>, vector<8x128xi32>
      %select_n3A_789 = arith.select %and3A_784, %select_n3A_742, %select_n3A_740 : vector<8x128xi1>, vector<8x128xf32>
      %select_n3A_790 = arith.select %and3A_784, %select_n3A_743, %select_n3A_741 : vector<8x128xi1>, vector<8x128xi32>
      %select_n3A_791 = arith.select %and3A_784, %select_n3A_744, %select_n3A_742 : vector<8x128xi1>, vector<8x128xf32>
      %select_n3A_792 = arith.select %and3A_784, %select_n3A_745, %select_n3A_743 : vector<8x128xi1>, vector<8x128xi32>
      %select_n3A_793 = arith.select %and3A_784, %select_n3A_746, %select_n3A_744 : vector<8x128xi1>, vector<8x128xf32>
      %select_n3A_794 = arith.select %and3A_784, %select_n3A_747, %select_n3A_745 : vector<8x128xi1>, vector<8x128xi32>
      %select_n3A_795 = arith.select %and3A_784, %select_n3A_748, %select_n3A_746 : vector<8x128xi1>, vector<8x128xf32>
      %select_n3A_796 = arith.select %and3A_784, %select_n3A_749, %select_n3A_747 : vector<8x128xi1>, vector<8x128xi32>
      %select_n3A_797 = arith.select %and3A_784, %select_n3A_750, %select_n3A_748 : vector<8x128xi1>, vector<8x128xf32>
      %select_n3A_798 = arith.select %and3A_784, %select_n3A_751, %select_n3A_749 : vector<8x128xi1>, vector<8x128xi32>
      %select_n3A_799 = arith.select %and3A_784, %select_n3A_752, %select_n3A_750 : vector<8x128xi1>, vector<8x128xf32>
      %select_n3A_800 = arith.select %and3A_784, %select_n3A_753, %select_n3A_751 : vector<8x128xi1>, vector<8x128xi32>
      %select_n3A_801 = arith.select %and3A_784, %select_n3A_754, %select_n3A_752 : vector<8x128xi1>, vector<8x128xf32>
      %select_n3A_802 = arith.select %and3A_784, %select_n3A_755, %select_n3A_753 : vector<8x128xi1>, vector<8x128xi32>
      %select_n3A_803 = arith.select %and3A_784, %select_n3A_756, %select_n3A_754 : vector<8x128xi1>, vector<8x128xf32>
      %select_n3A_804 = arith.select %and3A_784, %select_n3A_757, %select_n3A_755 : vector<8x128xi1>, vector<8x128xi32>
      %select_n3A_805 = arith.select %and3A_784, %select_n3A_758, %select_n3A_756 : vector<8x128xi1>, vector<8x128xf32>
      %select_n3A_806 = arith.select %and3A_784, %select_n3A_759, %select_n3A_757 : vector<8x128xi1>, vector<8x128xi32>
      %select_n3A_807 = arith.select %and3A_784, %select_n3A_760, %select_n3A_758 : vector<8x128xi1>, vector<8x128xf32>
      %select_n3A_808 = arith.select %and3A_784, %select_n3A_761, %select_n3A_759 : vector<8x128xi1>, vector<8x128xi32>
      %select_n3A_809 = arith.select %and3A_784, %select_n3A_762, %select_n3A_760 : vector<8x128xi1>, vector<8x128xf32>
      %select_n3A_810 = arith.select %and3A_784, %select_n3A_763, %select_n3A_761 : vector<8x128xi1>, vector<8x128xi32>
      %reduce_min3A_811 = arith.constant dense<0x7F800000> : vector<8xf32>
      %reduce_min3A_812 = vector.multi_reduction <minimumf>, %select_n3A_785, %reduce_min3A_811 [1] : vector<8x128xf32> to vector<8xf32>
      %broadcast_in_dim3A_813 = vector.shape_cast %reduce_min3A_812 : vector<8xf32> to vector<8x1xf32>
      %eq3A_814 = vector.broadcast %broadcast_in_dim3A_813 : vector<8x1xf32> to vector<8x128xf32>
      %eq3A_815 = arith.cmpf oeq, %select_n3A_785, %eq3A_814 : vector<8x128xf32>
      %broadcast_in_dim3A_816 = vector.broadcast %scan3A : i32 to vector<8x128xi32>
      %select_n3A_817 = arith.select %eq3A_815, %select_n3A_786, %broadcast_in_dim3A_816 : vector<8x128xi1>, vector<8x128xi32>
      %reduce_min3A_818 = arith.constant dense<2147483647> : vector<8xi32>
      %reduce_min3A_819 = vector.multi_reduction <minsi>, %select_n3A_817, %reduce_min3A_818 [1] : vector<8x128xi32> to vector<8xi32>
      %broadcast_in_dim3A_820 = vector.shape_cast %reduce_min3A_819 : vector<8xi32> to vector<8x1xi32>
      %add3A_821 = vector.broadcast %mul3A_28 : i32 to vector<8x1xi32>
      %add3A_822 = arith.addi %broadcast_in_dim3A_820, %add3A_821 : vector<8x1xi32>
      %swap3A_823 = arith.constant 0 : index
      %swap3A_824 = arith.index_cast %mul3A_36 : i32 to index
      %swap3A_825 = arith.constant 3 : index
      %swap3A_826 = vector.load %arg5[%swap3A_823, %swap3A_824, %swap3A_825] : memref<1x256x16xi32, #tpu.memory_space<vmem>>, vector<1x8x1xi32>
      %swap3A_827 = vector.shape_cast %swap3A_826 : vector<1x8x1xi32> to vector<8x1xi32>
      %swap3A_828 = vector.shape_cast %add3A_822 : vector<8x1xi32> to vector<1x8x1xi32>
      tpu.vector_store %arg5[%swap3A_823, %swap3A_824, %swap3A_825], %swap3A_828 {strides = array<i32>} : memref<1x256x16xi32, #tpu.memory_space<vmem>>, vector<1x8x1xi32>,
      %eq3A_829 = vector.broadcast %broadcast_in_dim3A_820 : vector<8x1xi32> to vector<8x128xi32>
      %eq3A_830 = arith.cmpi eq, %select_n3A_786, %eq3A_829 : vector<8x128xi32>
      %and3A_831 = arith.andi %eq3A_815, %eq3A_830 : vector<8x128xi1>
      %select_n3A_832 = arith.select %and3A_831, %select_n3A_787, %select_n3A_785 : vector<8x128xi1>, vector<8x128xf32>
      %select_n3A_833 = arith.select %and3A_831, %select_n3A_788, %select_n3A_786 : vector<8x128xi1>, vector<8x128xi32>
      %select_n3A_834 = arith.select %and3A_831, %select_n3A_789, %select_n3A_787 : vector<8x128xi1>, vector<8x128xf32>
      %select_n3A_835 = arith.select %and3A_831, %select_n3A_790, %select_n3A_788 : vector<8x128xi1>, vector<8x128xi32>
      %select_n3A_836 = arith.select %and3A_831, %select_n3A_791, %select_n3A_789 : vector<8x128xi1>, vector<8x128xf32>
      %select_n3A_837 = arith.select %and3A_831, %select_n3A_792, %select_n3A_790 : vector<8x128xi1>, vector<8x128xi32>
      %select_n3A_838 = arith.select %and3A_831, %select_n3A_793, %select_n3A_791 : vector<8x128xi1>, vector<8x128xf32>
      %select_n3A_839 = arith.select %and3A_831, %select_n3A_794, %select_n3A_792 : vector<8x128xi1>, vector<8x128xi32>
      %select_n3A_840 = arith.select %and3A_831, %select_n3A_795, %select_n3A_793 : vector<8x128xi1>, vector<8x128xf32>
      %select_n3A_841 = arith.select %and3A_831, %select_n3A_796, %select_n3A_794 : vector<8x128xi1>, vector<8x128xi32>
      %select_n3A_842 = arith.select %and3A_831, %select_n3A_797, %select_n3A_795 : vector<8x128xi1>, vector<8x128xf32>
      %select_n3A_843 = arith.select %and3A_831, %select_n3A_798, %select_n3A_796 : vector<8x128xi1>, vector<8x128xi32>
      %select_n3A_844 = arith.select %and3A_831, %select_n3A_799, %select_n3A_797 : vector<8x128xi1>, vector<8x128xf32>
      %select_n3A_845 = arith.select %and3A_831, %select_n3A_800, %select_n3A_798 : vector<8x128xi1>, vector<8x128xi32>
      %select_n3A_846 = arith.select %and3A_831, %select_n3A_801, %select_n3A_799 : vector<8x128xi1>, vector<8x128xf32>
      %select_n3A_847 = arith.select %and3A_831, %select_n3A_802, %select_n3A_800 : vector<8x128xi1>, vector<8x128xi32>
      %select_n3A_848 = arith.select %and3A_831, %select_n3A_803, %select_n3A_801 : vector<8x128xi1>, vector<8x128xf32>
      %select_n3A_849 = arith.select %and3A_831, %select_n3A_804, %select_n3A_802 : vector<8x128xi1>, vector<8x128xi32>
      %select_n3A_850 = arith.select %and3A_831, %select_n3A_805, %select_n3A_803 : vector<8x128xi1>, vector<8x128xf32>
      %select_n3A_851 = arith.select %and3A_831, %select_n3A_806, %select_n3A_804 : vector<8x128xi1>, vector<8x128xi32>
      %select_n3A_852 = arith.select %and3A_831, %select_n3A_807, %select_n3A_805 : vector<8x128xi1>, vector<8x128xf32>
      %select_n3A_853 = arith.select %and3A_831, %select_n3A_808, %select_n3A_806 : vector<8x128xi1>, vector<8x128xi32>
      %select_n3A_854 = arith.select %and3A_831, %select_n3A_809, %select_n3A_807 : vector<8x128xi1>, vector<8x128xf32>
      %select_n3A_855 = arith.select %and3A_831, %select_n3A_810, %select_n3A_808 : vector<8x128xi1>, vector<8x128xi32>
      %reduce_min3A_856 = arith.constant dense<0x7F800000> : vector<8xf32>
      %reduce_min3A_857 = vector.multi_reduction <minimumf>, %select_n3A_832, %reduce_min3A_856 [1] : vector<8x128xf32> to vector<8xf32>
      %broadcast_in_dim3A_858 = vector.shape_cast %reduce_min3A_857 : vector<8xf32> to vector<8x1xf32>
      %eq3A_859 = vector.broadcast %broadcast_in_dim3A_858 : vector<8x1xf32> to vector<8x128xf32>
      %eq3A_860 = arith.cmpf oeq, %select_n3A_832, %eq3A_859 : vector<8x128xf32>
      %broadcast_in_dim3A_861 = vector.broadcast %scan3A : i32 to vector<8x128xi32>
      %select_n3A_862 = arith.select %eq3A_860, %select_n3A_833, %broadcast_in_dim3A_861 : vector<8x128xi1>, vector<8x128xi32>
      %reduce_min3A_863 = arith.constant dense<2147483647> : vector<8xi32>
      %reduce_min3A_864 = vector.multi_reduction <minsi>, %select_n3A_862, %reduce_min3A_863 [1] : vector<8x128xi32> to vector<8xi32>
      %broadcast_in_dim3A_865 = vector.shape_cast %reduce_min3A_864 : vector<8xi32> to vector<8x1xi32>
      %add3A_866 = vector.broadcast %mul3A_28 : i32 to vector<8x1xi32>
      %add3A_867 = arith.addi %broadcast_in_dim3A_865, %add3A_866 : vector<8x1xi32>
      %swap3A_868 = arith.constant 0 : index
      %swap3A_869 = arith.index_cast %mul3A_36 : i32 to index
      %swap3A_870 = arith.constant 4 : index
      %swap3A_871 = vector.load %arg5[%swap3A_868, %swap3A_869, %swap3A_870] : memref<1x256x16xi32, #tpu.memory_space<vmem>>, vector<1x8x1xi32>
      %swap3A_872 = vector.shape_cast %swap3A_871 : vector<1x8x1xi32> to vector<8x1xi32>
      %swap3A_873 = vector.shape_cast %add3A_867 : vector<8x1xi32> to vector<1x8x1xi32>
      tpu.vector_store %arg5[%swap3A_868, %swap3A_869, %swap3A_870], %swap3A_873 {strides = array<i32>} : memref<1x256x16xi32, #tpu.memory_space<vmem>>, vector<1x8x1xi32>,
      %eq3A_874 = vector.broadcast %broadcast_in_dim3A_865 : vector<8x1xi32> to vector<8x128xi32>
      %eq3A_875 = arith.cmpi eq, %select_n3A_833, %eq3A_874 : vector<8x128xi32>
      %and3A_876 = arith.andi %eq3A_860, %eq3A_875 : vector<8x128xi1>
      %select_n3A_877 = arith.select %and3A_876, %select_n3A_834, %select_n3A_832 : vector<8x128xi1>, vector<8x128xf32>
      %select_n3A_878 = arith.select %and3A_876, %select_n3A_835, %select_n3A_833 : vector<8x128xi1>, vector<8x128xi32>
      %select_n3A_879 = arith.select %and3A_876, %select_n3A_836, %select_n3A_834 : vector<8x128xi1>, vector<8x128xf32>
      %select_n3A_880 = arith.select %and3A_876, %select_n3A_837, %select_n3A_835 : vector<8x128xi1>, vector<8x128xi32>
      %select_n3A_881 = arith.select %and3A_876, %select_n3A_838, %select_n3A_836 : vector<8x128xi1>, vector<8x128xf32>
      %select_n3A_882 = arith.select %and3A_876, %select_n3A_839, %select_n3A_837 : vector<8x128xi1>, vector<8x128xi32>
      %select_n3A_883 = arith.select %and3A_876, %select_n3A_840, %select_n3A_838 : vector<8x128xi1>, vector<8x128xf32>
      %select_n3A_884 = arith.select %and3A_876, %select_n3A_841, %select_n3A_839 : vector<8x128xi1>, vector<8x128xi32>
      %select_n3A_885 = arith.select %and3A_876, %select_n3A_842, %select_n3A_840 : vector<8x128xi1>, vector<8x128xf32>
      %select_n3A_886 = arith.select %and3A_876, %select_n3A_843, %select_n3A_841 : vector<8x128xi1>, vector<8x128xi32>
      %select_n3A_887 = arith.select %and3A_876, %select_n3A_844, %select_n3A_842 : vector<8x128xi1>, vector<8x128xf32>
      %select_n3A_888 = arith.select %and3A_876, %select_n3A_845, %select_n3A_843 : vector<8x128xi1>, vector<8x128xi32>
      %select_n3A_889 = arith.select %and3A_876, %select_n3A_846, %select_n3A_844 : vector<8x128xi1>, vector<8x128xf32>
      %select_n3A_890 = arith.select %and3A_876, %select_n3A_847, %select_n3A_845 : vector<8x128xi1>, vector<8x128xi32>
      %select_n3A_891 = arith.select %and3A_876, %select_n3A_848, %select_n3A_846 : vector<8x128xi1>, vector<8x128xf32>
      %select_n3A_892 = arith.select %and3A_876, %select_n3A_849, %select_n3A_847 : vector<8x128xi1>, vector<8x128xi32>
      %select_n3A_893 = arith.select %and3A_876, %select_n3A_850, %select_n3A_848 : vector<8x128xi1>, vector<8x128xf32>
      %select_n3A_894 = arith.select %and3A_876, %select_n3A_851, %select_n3A_849 : vector<8x128xi1>, vector<8x128xi32>
      %select_n3A_895 = arith.select %and3A_876, %select_n3A_852, %select_n3A_850 : vector<8x128xi1>, vector<8x128xf32>
      %select_n3A_896 = arith.select %and3A_876, %select_n3A_853, %select_n3A_851 : vector<8x128xi1>, vector<8x128xi32>
      %select_n3A_897 = arith.select %and3A_876, %select_n3A_854, %select_n3A_852 : vector<8x128xi1>, vector<8x128xf32>
      %select_n3A_898 = arith.select %and3A_876, %select_n3A_855, %select_n3A_853 : vector<8x128xi1>, vector<8x128xi32>
      %reduce_min3A_899 = arith.constant dense<0x7F800000> : vector<8xf32>
      %reduce_min3A_900 = vector.multi_reduction <minimumf>, %select_n3A_877, %reduce_min3A_899 [1] : vector<8x128xf32> to vector<8xf32>
      %broadcast_in_dim3A_901 = vector.shape_cast %reduce_min3A_900 : vector<8xf32> to vector<8x1xf32>
      %eq3A_902 = vector.broadcast %broadcast_in_dim3A_901 : vector<8x1xf32> to vector<8x128xf32>
      %eq3A_903 = arith.cmpf oeq, %select_n3A_877, %eq3A_902 : vector<8x128xf32>
      %broadcast_in_dim3A_904 = vector.broadcast %scan3A : i32 to vector<8x128xi32>
      %select_n3A_905 = arith.select %eq3A_903, %select_n3A_878, %broadcast_in_dim3A_904 : vector<8x128xi1>, vector<8x128xi32>
      %reduce_min3A_906 = arith.constant dense<2147483647> : vector<8xi32>
      %reduce_min3A_907 = vector.multi_reduction <minsi>, %select_n3A_905, %reduce_min3A_906 [1] : vector<8x128xi32> to vector<8xi32>
      %broadcast_in_dim3A_908 = vector.shape_cast %reduce_min3A_907 : vector<8xi32> to vector<8x1xi32>
      %add3A_909 = vector.broadcast %mul3A_28 : i32 to vector<8x1xi32>
      %add3A_910 = arith.addi %broadcast_in_dim3A_908, %add3A_909 : vector<8x1xi32>
      %swap3A_911 = arith.constant 0 : index
      %swap3A_912 = arith.index_cast %mul3A_36 : i32 to index
      %swap3A_913 = arith.constant 5 : index
      %swap3A_914 = vector.load %arg5[%swap3A_911, %swap3A_912, %swap3A_913] : memref<1x256x16xi32, #tpu.memory_space<vmem>>, vector<1x8x1xi32>
      %swap3A_915 = vector.shape_cast %swap3A_914 : vector<1x8x1xi32> to vector<8x1xi32>
      %swap3A_916 = vector.shape_cast %add3A_910 : vector<8x1xi32> to vector<1x8x1xi32>
      tpu.vector_store %arg5[%swap3A_911, %swap3A_912, %swap3A_913], %swap3A_916 {strides = array<i32>} : memref<1x256x16xi32, #tpu.memory_space<vmem>>, vector<1x8x1xi32>,
      %eq3A_917 = vector.broadcast %broadcast_in_dim3A_908 : vector<8x1xi32> to vector<8x128xi32>
      %eq3A_918 = arith.cmpi eq, %select_n3A_878, %eq3A_917 : vector<8x128xi32>
      %and3A_919 = arith.andi %eq3A_903, %eq3A_918 : vector<8x128xi1>
      %select_n3A_920 = arith.select %and3A_919, %select_n3A_879, %select_n3A_877 : vector<8x128xi1>, vector<8x128xf32>
      %select_n3A_921 = arith.select %and3A_919, %select_n3A_880, %select_n3A_878 : vector<8x128xi1>, vector<8x128xi32>
      %select_n3A_922 = arith.select %and3A_919, %select_n3A_881, %select_n3A_879 : vector<8x128xi1>, vector<8x128xf32>
      %select_n3A_923 = arith.select %and3A_919, %select_n3A_882, %select_n3A_880 : vector<8x128xi1>, vector<8x128xi32>
      %select_n3A_924 = arith.select %and3A_919, %select_n3A_883, %select_n3A_881 : vector<8x128xi1>, vector<8x128xf32>
      %select_n3A_925 = arith.select %and3A_919, %select_n3A_884, %select_n3A_882 : vector<8x128xi1>, vector<8x128xi32>
      %select_n3A_926 = arith.select %and3A_919, %select_n3A_885, %select_n3A_883 : vector<8x128xi1>, vector<8x128xf32>
      %select_n3A_927 = arith.select %and3A_919, %select_n3A_886, %select_n3A_884 : vector<8x128xi1>, vector<8x128xi32>
      %select_n3A_928 = arith.select %and3A_919, %select_n3A_887, %select_n3A_885 : vector<8x128xi1>, vector<8x128xf32>
      %select_n3A_929 = arith.select %and3A_919, %select_n3A_888, %select_n3A_886 : vector<8x128xi1>, vector<8x128xi32>
      %select_n3A_930 = arith.select %and3A_919, %select_n3A_889, %select_n3A_887 : vector<8x128xi1>, vector<8x128xf32>
      %select_n3A_931 = arith.select %and3A_919, %select_n3A_890, %select_n3A_888 : vector<8x128xi1>, vector<8x128xi32>
      %select_n3A_932 = arith.select %and3A_919, %select_n3A_891, %select_n3A_889 : vector<8x128xi1>, vector<8x128xf32>
      %select_n3A_933 = arith.select %and3A_919, %select_n3A_892, %select_n3A_890 : vector<8x128xi1>, vector<8x128xi32>
      %select_n3A_934 = arith.select %and3A_919, %select_n3A_893, %select_n3A_891 : vector<8x128xi1>, vector<8x128xf32>
      %select_n3A_935 = arith.select %and3A_919, %select_n3A_894, %select_n3A_892 : vector<8x128xi1>, vector<8x128xi32>
      %select_n3A_936 = arith.select %and3A_919, %select_n3A_895, %select_n3A_893 : vector<8x128xi1>, vector<8x128xf32>
      %select_n3A_937 = arith.select %and3A_919, %select_n3A_896, %select_n3A_894 : vector<8x128xi1>, vector<8x128xi32>
      %select_n3A_938 = arith.select %and3A_919, %select_n3A_897, %select_n3A_895 : vector<8x128xi1>, vector<8x128xf32>
      %select_n3A_939 = arith.select %and3A_919, %select_n3A_898, %select_n3A_896 : vector<8x128xi1>, vector<8x128xi32>
      %reduce_min3A_940 = arith.constant dense<0x7F800000> : vector<8xf32>
      %reduce_min3A_941 = vector.multi_reduction <minimumf>, %select_n3A_920, %reduce_min3A_940 [1] : vector<8x128xf32> to vector<8xf32>
      %broadcast_in_dim3A_942 = vector.shape_cast %reduce_min3A_941 : vector<8xf32> to vector<8x1xf32>
      %eq3A_943 = vector.broadcast %broadcast_in_dim3A_942 : vector<8x1xf32> to vector<8x128xf32>
      %eq3A_944 = arith.cmpf oeq, %select_n3A_920, %eq3A_943 : vector<8x128xf32>
      %broadcast_in_dim3A_945 = vector.broadcast %scan3A : i32 to vector<8x128xi32>
      %select_n3A_946 = arith.select %eq3A_944, %select_n3A_921, %broadcast_in_dim3A_945 : vector<8x128xi1>, vector<8x128xi32>
      %reduce_min3A_947 = arith.constant dense<2147483647> : vector<8xi32>
      %reduce_min3A_948 = vector.multi_reduction <minsi>, %select_n3A_946, %reduce_min3A_947 [1] : vector<8x128xi32> to vector<8xi32>
      %broadcast_in_dim3A_949 = vector.shape_cast %reduce_min3A_948 : vector<8xi32> to vector<8x1xi32>
      %add3A_950 = vector.broadcast %mul3A_28 : i32 to vector<8x1xi32>
      %add3A_951 = arith.addi %broadcast_in_dim3A_949, %add3A_950 : vector<8x1xi32>
      %swap3A_952 = arith.constant 0 : index
      %swap3A_953 = arith.index_cast %mul3A_36 : i32 to index
      %swap3A_954 = arith.constant 6 : index
      %swap3A_955 = vector.load %arg5[%swap3A_952, %swap3A_953, %swap3A_954] : memref<1x256x16xi32, #tpu.memory_space<vmem>>, vector<1x8x1xi32>
      %swap3A_956 = vector.shape_cast %swap3A_955 : vector<1x8x1xi32> to vector<8x1xi32>
      %swap3A_957 = vector.shape_cast %add3A_951 : vector<8x1xi32> to vector<1x8x1xi32>
      tpu.vector_store %arg5[%swap3A_952, %swap3A_953, %swap3A_954], %swap3A_957 {strides = array<i32>} : memref<1x256x16xi32, #tpu.memory_space<vmem>>, vector<1x8x1xi32>,
      %eq3A_958 = vector.broadcast %broadcast_in_dim3A_949 : vector<8x1xi32> to vector<8x128xi32>
      %eq3A_959 = arith.cmpi eq, %select_n3A_921, %eq3A_958 : vector<8x128xi32>
      %and3A_960 = arith.andi %eq3A_944, %eq3A_959 : vector<8x128xi1>
      %select_n3A_961 = arith.select %and3A_960, %select_n3A_922, %select_n3A_920 : vector<8x128xi1>, vector<8x128xf32>
      %select_n3A_962 = arith.select %and3A_960, %select_n3A_923, %select_n3A_921 : vector<8x128xi1>, vector<8x128xi32>
      %select_n3A_963 = arith.select %and3A_960, %select_n3A_924, %select_n3A_922 : vector<8x128xi1>, vector<8x128xf32>
      %select_n3A_964 = arith.select %and3A_960, %select_n3A_925, %select_n3A_923 : vector<8x128xi1>, vector<8x128xi32>
      %select_n3A_965 = arith.select %and3A_960, %select_n3A_926, %select_n3A_924 : vector<8x128xi1>, vector<8x128xf32>
      %select_n3A_966 = arith.select %and3A_960, %select_n3A_927, %select_n3A_925 : vector<8x128xi1>, vector<8x128xi32>
      %select_n3A_967 = arith.select %and3A_960, %select_n3A_928, %select_n3A_926 : vector<8x128xi1>, vector<8x128xf32>
      %select_n3A_968 = arith.select %and3A_960, %select_n3A_929, %select_n3A_927 : vector<8x128xi1>, vector<8x128xi32>
      %select_n3A_969 = arith.select %and3A_960, %select_n3A_930, %select_n3A_928 : vector<8x128xi1>, vector<8x128xf32>
      %select_n3A_970 = arith.select %and3A_960, %select_n3A_931, %select_n3A_929 : vector<8x128xi1>, vector<8x128xi32>
      %select_n3A_971 = arith.select %and3A_960, %select_n3A_932, %select_n3A_930 : vector<8x128xi1>, vector<8x128xf32>
      %select_n3A_972 = arith.select %and3A_960, %select_n3A_933, %select_n3A_931 : vector<8x128xi1>, vector<8x128xi32>
      %select_n3A_973 = arith.select %and3A_960, %select_n3A_934, %select_n3A_932 : vector<8x128xi1>, vector<8x128xf32>
      %select_n3A_974 = arith.select %and3A_960, %select_n3A_935, %select_n3A_933 : vector<8x128xi1>, vector<8x128xi32>
      %select_n3A_975 = arith.select %and3A_960, %select_n3A_936, %select_n3A_934 : vector<8x128xi1>, vector<8x128xf32>
      %select_n3A_976 = arith.select %and3A_960, %select_n3A_937, %select_n3A_935 : vector<8x128xi1>, vector<8x128xi32>
      %select_n3A_977 = arith.select %and3A_960, %select_n3A_938, %select_n3A_936 : vector<8x128xi1>, vector<8x128xf32>
      %select_n3A_978 = arith.select %and3A_960, %select_n3A_939, %select_n3A_937 : vector<8x128xi1>, vector<8x128xi32>
      %reduce_min3A_979 = arith.constant dense<0x7F800000> : vector<8xf32>
      %reduce_min3A_980 = vector.multi_reduction <minimumf>, %select_n3A_961, %reduce_min3A_979 [1] : vector<8x128xf32> to vector<8xf32>
      %broadcast_in_dim3A_981 = vector.shape_cast %reduce_min3A_980 : vector<8xf32> to vector<8x1xf32>
      %eq3A_982 = vector.broadcast %broadcast_in_dim3A_981 : vector<8x1xf32> to vector<8x128xf32>
      %eq3A_983 = arith.cmpf oeq, %select_n3A_961, %eq3A_982 : vector<8x128xf32>
      %broadcast_in_dim3A_984 = vector.broadcast %scan3A : i32 to vector<8x128xi32>
      %select_n3A_985 = arith.select %eq3A_983, %select_n3A_962, %broadcast_in_dim3A_984 : vector<8x128xi1>, vector<8x128xi32>
      %reduce_min3A_986 = arith.constant dense<2147483647> : vector<8xi32>
      %reduce_min3A_987 = vector.multi_reduction <minsi>, %select_n3A_985, %reduce_min3A_986 [1] : vector<8x128xi32> to vector<8xi32>
      %broadcast_in_dim3A_988 = vector.shape_cast %reduce_min3A_987 : vector<8xi32> to vector<8x1xi32>
      %add3A_989 = vector.broadcast %mul3A_28 : i32 to vector<8x1xi32>
      %add3A_990 = arith.addi %broadcast_in_dim3A_988, %add3A_989 : vector<8x1xi32>
      %swap3A_991 = arith.constant 0 : index
      %swap3A_992 = arith.index_cast %mul3A_36 : i32 to index
      %swap3A_993 = arith.constant 7 : index
      %swap3A_994 = vector.load %arg5[%swap3A_991, %swap3A_992, %swap3A_993] : memref<1x256x16xi32, #tpu.memory_space<vmem>>, vector<1x8x1xi32>
      %swap3A_995 = vector.shape_cast %swap3A_994 : vector<1x8x1xi32> to vector<8x1xi32>
      %swap3A_996 = vector.shape_cast %add3A_990 : vector<8x1xi32> to vector<1x8x1xi32>
      tpu.vector_store %arg5[%swap3A_991, %swap3A_992, %swap3A_993], %swap3A_996 {strides = array<i32>} : memref<1x256x16xi32, #tpu.memory_space<vmem>>, vector<1x8x1xi32>,
      %eq3A_997 = vector.broadcast %broadcast_in_dim3A_988 : vector<8x1xi32> to vector<8x128xi32>
      %eq3A_998 = arith.cmpi eq, %select_n3A_962, %eq3A_997 : vector<8x128xi32>
      %and3A_999 = arith.andi %eq3A_983, %eq3A_998 : vector<8x128xi1>
      %select_n3A_1000 = arith.select %and3A_999, %select_n3A_963, %select_n3A_961 : vector<8x128xi1>, vector<8x128xf32>
      %select_n3A_1001 = arith.select %and3A_999, %select_n3A_964, %select_n3A_962 : vector<8x128xi1>, vector<8x128xi32>
      %select_n3A_1002 = arith.select %and3A_999, %select_n3A_965, %select_n3A_963 : vector<8x128xi1>, vector<8x128xf32>
      %select_n3A_1003 = arith.select %and3A_999, %select_n3A_966, %select_n3A_964 : vector<8x128xi1>, vector<8x128xi32>
      %select_n3A_1004 = arith.select %and3A_999, %select_n3A_967, %select_n3A_965 : vector<8x128xi1>, vector<8x128xf32>
      %select_n3A_1005 = arith.select %and3A_999, %select_n3A_968, %select_n3A_966 : vector<8x128xi1>, vector<8x128xi32>
      %select_n3A_1006 = arith.select %and3A_999, %select_n3A_969, %select_n3A_967 : vector<8x128xi1>, vector<8x128xf32>
      %select_n3A_1007 = arith.select %and3A_999, %select_n3A_970, %select_n3A_968 : vector<8x128xi1>, vector<8x128xi32>
      %select_n3A_1008 = arith.select %and3A_999, %select_n3A_971, %select_n3A_969 : vector<8x128xi1>, vector<8x128xf32>
      %select_n3A_1009 = arith.select %and3A_999, %select_n3A_972, %select_n3A_970 : vector<8x128xi1>, vector<8x128xi32>
      %select_n3A_1010 = arith.select %and3A_999, %select_n3A_973, %select_n3A_971 : vector<8x128xi1>, vector<8x128xf32>
      %select_n3A_1011 = arith.select %and3A_999, %select_n3A_974, %select_n3A_972 : vector<8x128xi1>, vector<8x128xi32>
      %select_n3A_1012 = arith.select %and3A_999, %select_n3A_975, %select_n3A_973 : vector<8x128xi1>, vector<8x128xf32>
      %select_n3A_1013 = arith.select %and3A_999, %select_n3A_976, %select_n3A_974 : vector<8x128xi1>, vector<8x128xi32>
      %select_n3A_1014 = arith.select %and3A_999, %select_n3A_977, %select_n3A_975 : vector<8x128xi1>, vector<8x128xf32>
      %select_n3A_1015 = arith.select %and3A_999, %select_n3A_978, %select_n3A_976 : vector<8x128xi1>, vector<8x128xi32>
      %reduce_min3A_1016 = arith.constant dense<0x7F800000> : vector<8xf32>
      %reduce_min3A_1017 = vector.multi_reduction <minimumf>, %select_n3A_1000, %reduce_min3A_1016 [1] : vector<8x128xf32> to vector<8xf32>
      %broadcast_in_dim3A_1018 = vector.shape_cast %reduce_min3A_1017 : vector<8xf32> to vector<8x1xf32>
      %eq3A_1019 = vector.broadcast %broadcast_in_dim3A_1018 : vector<8x1xf32> to vector<8x128xf32>
      %eq3A_1020 = arith.cmpf oeq, %select_n3A_1000, %eq3A_1019 : vector<8x128xf32>
      %broadcast_in_dim3A_1021 = vector.broadcast %scan3A : i32 to vector<8x128xi32>
      %select_n3A_1022 = arith.select %eq3A_1020, %select_n3A_1001, %broadcast_in_dim3A_1021 : vector<8x128xi1>, vector<8x128xi32>
      %reduce_min3A_1023 = arith.constant dense<2147483647> : vector<8xi32>
      %reduce_min3A_1024 = vector.multi_reduction <minsi>, %select_n3A_1022, %reduce_min3A_1023 [1] : vector<8x128xi32> to vector<8xi32>
      %broadcast_in_dim3A_1025 = vector.shape_cast %reduce_min3A_1024 : vector<8xi32> to vector<8x1xi32>
      %add3A_1026 = vector.broadcast %mul3A_28 : i32 to vector<8x1xi32>
      %add3A_1027 = arith.addi %broadcast_in_dim3A_1025, %add3A_1026 : vector<8x1xi32>
      %swap3A_1028 = arith.constant 0 : index
      %swap3A_1029 = arith.index_cast %mul3A_36 : i32 to index
      %swap3A_1030 = arith.constant 8 : index
      %swap3A_1031 = vector.load %arg5[%swap3A_1028, %swap3A_1029, %swap3A_1030] : memref<1x256x16xi32, #tpu.memory_space<vmem>>, vector<1x8x1xi32>
      %swap3A_1032 = vector.shape_cast %swap3A_1031 : vector<1x8x1xi32> to vector<8x1xi32>
      %swap3A_1033 = vector.shape_cast %add3A_1027 : vector<8x1xi32> to vector<1x8x1xi32>
      tpu.vector_store %arg5[%swap3A_1028, %swap3A_1029, %swap3A_1030], %swap3A_1033 {strides = array<i32>} : memref<1x256x16xi32, #tpu.memory_space<vmem>>, vector<1x8x1xi32>,
      %eq3A_1034 = vector.broadcast %broadcast_in_dim3A_1025 : vector<8x1xi32> to vector<8x128xi32>
      %eq3A_1035 = arith.cmpi eq, %select_n3A_1001, %eq3A_1034 : vector<8x128xi32>
      %and3A_1036 = arith.andi %eq3A_1020, %eq3A_1035 : vector<8x128xi1>
      %select_n3A_1037 = arith.select %and3A_1036, %select_n3A_1002, %select_n3A_1000 : vector<8x128xi1>, vector<8x128xf32>
      %select_n3A_1038 = arith.select %and3A_1036, %select_n3A_1003, %select_n3A_1001 : vector<8x128xi1>, vector<8x128xi32>
      %select_n3A_1039 = arith.select %and3A_1036, %select_n3A_1004, %select_n3A_1002 : vector<8x128xi1>, vector<8x128xf32>
      %select_n3A_1040 = arith.select %and3A_1036, %select_n3A_1005, %select_n3A_1003 : vector<8x128xi1>, vector<8x128xi32>
      %select_n3A_1041 = arith.select %and3A_1036, %select_n3A_1006, %select_n3A_1004 : vector<8x128xi1>, vector<8x128xf32>
      %select_n3A_1042 = arith.select %and3A_1036, %select_n3A_1007, %select_n3A_1005 : vector<8x128xi1>, vector<8x128xi32>
      %select_n3A_1043 = arith.select %and3A_1036, %select_n3A_1008, %select_n3A_1006 : vector<8x128xi1>, vector<8x128xf32>
      %select_n3A_1044 = arith.select %and3A_1036, %select_n3A_1009, %select_n3A_1007 : vector<8x128xi1>, vector<8x128xi32>
      %select_n3A_1045 = arith.select %and3A_1036, %select_n3A_1010, %select_n3A_1008 : vector<8x128xi1>, vector<8x128xf32>
      %select_n3A_1046 = arith.select %and3A_1036, %select_n3A_1011, %select_n3A_1009 : vector<8x128xi1>, vector<8x128xi32>
      %select_n3A_1047 = arith.select %and3A_1036, %select_n3A_1012, %select_n3A_1010 : vector<8x128xi1>, vector<8x128xf32>
      %select_n3A_1048 = arith.select %and3A_1036, %select_n3A_1013, %select_n3A_1011 : vector<8x128xi1>, vector<8x128xi32>
      %select_n3A_1049 = arith.select %and3A_1036, %select_n3A_1014, %select_n3A_1012 : vector<8x128xi1>, vector<8x128xf32>
      %select_n3A_1050 = arith.select %and3A_1036, %select_n3A_1015, %select_n3A_1013 : vector<8x128xi1>, vector<8x128xi32>
      %reduce_min3A_1051 = arith.constant dense<0x7F800000> : vector<8xf32>
      %reduce_min3A_1052 = vector.multi_reduction <minimumf>, %select_n3A_1037, %reduce_min3A_1051 [1] : vector<8x128xf32> to vector<8xf32>
      %broadcast_in_dim3A_1053 = vector.shape_cast %reduce_min3A_1052 : vector<8xf32> to vector<8x1xf32>
      %eq3A_1054 = vector.broadcast %broadcast_in_dim3A_1053 : vector<8x1xf32> to vector<8x128xf32>
      %eq3A_1055 = arith.cmpf oeq, %select_n3A_1037, %eq3A_1054 : vector<8x128xf32>
      %broadcast_in_dim3A_1056 = vector.broadcast %scan3A : i32 to vector<8x128xi32>
      %select_n3A_1057 = arith.select %eq3A_1055, %select_n3A_1038, %broadcast_in_dim3A_1056 : vector<8x128xi1>, vector<8x128xi32>
      %reduce_min3A_1058 = arith.constant dense<2147483647> : vector<8xi32>
      %reduce_min3A_1059 = vector.multi_reduction <minsi>, %select_n3A_1057, %reduce_min3A_1058 [1] : vector<8x128xi32> to vector<8xi32>
      %broadcast_in_dim3A_1060 = vector.shape_cast %reduce_min3A_1059 : vector<8xi32> to vector<8x1xi32>
      %add3A_1061 = vector.broadcast %mul3A_28 : i32 to vector<8x1xi32>
      %add3A_1062 = arith.addi %broadcast_in_dim3A_1060, %add3A_1061 : vector<8x1xi32>
      %swap3A_1063 = arith.constant 0 : index
      %swap3A_1064 = arith.index_cast %mul3A_36 : i32 to index
      %swap3A_1065 = arith.constant 9 : index
      %swap3A_1066 = vector.load %arg5[%swap3A_1063, %swap3A_1064, %swap3A_1065] : memref<1x256x16xi32, #tpu.memory_space<vmem>>, vector<1x8x1xi32>
      %swap3A_1067 = vector.shape_cast %swap3A_1066 : vector<1x8x1xi32> to vector<8x1xi32>
      %swap3A_1068 = vector.shape_cast %add3A_1062 : vector<8x1xi32> to vector<1x8x1xi32>
      tpu.vector_store %arg5[%swap3A_1063, %swap3A_1064, %swap3A_1065], %swap3A_1068 {strides = array<i32>} : memref<1x256x16xi32, #tpu.memory_space<vmem>>, vector<1x8x1xi32>,
      %eq3A_1069 = vector.broadcast %broadcast_in_dim3A_1060 : vector<8x1xi32> to vector<8x128xi32>
      %eq3A_1070 = arith.cmpi eq, %select_n3A_1038, %eq3A_1069 : vector<8x128xi32>
      %and3A_1071 = arith.andi %eq3A_1055, %eq3A_1070 : vector<8x128xi1>
      %select_n3A_1072 = arith.select %and3A_1071, %select_n3A_1039, %select_n3A_1037 : vector<8x128xi1>, vector<8x128xf32>
      %select_n3A_1073 = arith.select %and3A_1071, %select_n3A_1040, %select_n3A_1038 : vector<8x128xi1>, vector<8x128xi32>
      %select_n3A_1074 = arith.select %and3A_1071, %select_n3A_1041, %select_n3A_1039 : vector<8x128xi1>, vector<8x128xf32>
      %select_n3A_1075 = arith.select %and3A_1071, %select_n3A_1042, %select_n3A_1040 : vector<8x128xi1>, vector<8x128xi32>
      %select_n3A_1076 = arith.select %and3A_1071, %select_n3A_1043, %select_n3A_1041 : vector<8x128xi1>, vector<8x128xf32>
      %select_n3A_1077 = arith.select %and3A_1071, %select_n3A_1044, %select_n3A_1042 : vector<8x128xi1>, vector<8x128xi32>
      %select_n3A_1078 = arith.select %and3A_1071, %select_n3A_1045, %select_n3A_1043 : vector<8x128xi1>, vector<8x128xf32>
      %select_n3A_1079 = arith.select %and3A_1071, %select_n3A_1046, %select_n3A_1044 : vector<8x128xi1>, vector<8x128xi32>
      %select_n3A_1080 = arith.select %and3A_1071, %select_n3A_1047, %select_n3A_1045 : vector<8x128xi1>, vector<8x128xf32>
      %select_n3A_1081 = arith.select %and3A_1071, %select_n3A_1048, %select_n3A_1046 : vector<8x128xi1>, vector<8x128xi32>
      %select_n3A_1082 = arith.select %and3A_1071, %select_n3A_1049, %select_n3A_1047 : vector<8x128xi1>, vector<8x128xf32>
      %select_n3A_1083 = arith.select %and3A_1071, %select_n3A_1050, %select_n3A_1048 : vector<8x128xi1>, vector<8x128xi32>
      %reduce_min3A_1084 = arith.constant dense<0x7F800000> : vector<8xf32>
      %reduce_min3A_1085 = vector.multi_reduction <minimumf>, %select_n3A_1072, %reduce_min3A_1084 [1] : vector<8x128xf32> to vector<8xf32>
      %broadcast_in_dim3A_1086 = vector.shape_cast %reduce_min3A_1085 : vector<8xf32> to vector<8x1xf32>
      %eq3A_1087 = vector.broadcast %broadcast_in_dim3A_1086 : vector<8x1xf32> to vector<8x128xf32>
      %eq3A_1088 = arith.cmpf oeq, %select_n3A_1072, %eq3A_1087 : vector<8x128xf32>
      %broadcast_in_dim3A_1089 = vector.broadcast %scan3A : i32 to vector<8x128xi32>
      %select_n3A_1090 = arith.select %eq3A_1088, %select_n3A_1073, %broadcast_in_dim3A_1089 : vector<8x128xi1>, vector<8x128xi32>
      %reduce_min3A_1091 = arith.constant dense<2147483647> : vector<8xi32>
      %reduce_min3A_1092 = vector.multi_reduction <minsi>, %select_n3A_1090, %reduce_min3A_1091 [1] : vector<8x128xi32> to vector<8xi32>
      %broadcast_in_dim3A_1093 = vector.shape_cast %reduce_min3A_1092 : vector<8xi32> to vector<8x1xi32>
      %add3A_1094 = vector.broadcast %mul3A_28 : i32 to vector<8x1xi32>
      %add3A_1095 = arith.addi %broadcast_in_dim3A_1093, %add3A_1094 : vector<8x1xi32>
      %swap3A_1096 = arith.constant 0 : index
      %swap3A_1097 = arith.index_cast %mul3A_36 : i32 to index
      %swap3A_1098 = arith.constant 10 : index
      %swap3A_1099 = vector.load %arg5[%swap3A_1096, %swap3A_1097, %swap3A_1098] : memref<1x256x16xi32, #tpu.memory_space<vmem>>, vector<1x8x1xi32>
      %swap3A_1100 = vector.shape_cast %swap3A_1099 : vector<1x8x1xi32> to vector<8x1xi32>
      %swap3A_1101 = vector.shape_cast %add3A_1095 : vector<8x1xi32> to vector<1x8x1xi32>
      tpu.vector_store %arg5[%swap3A_1096, %swap3A_1097, %swap3A_1098], %swap3A_1101 {strides = array<i32>} : memref<1x256x16xi32, #tpu.memory_space<vmem>>, vector<1x8x1xi32>,
      %eq3A_1102 = vector.broadcast %broadcast_in_dim3A_1093 : vector<8x1xi32> to vector<8x128xi32>
      %eq3A_1103 = arith.cmpi eq, %select_n3A_1073, %eq3A_1102 : vector<8x128xi32>
      %and3A_1104 = arith.andi %eq3A_1088, %eq3A_1103 : vector<8x128xi1>
      %select_n3A_1105 = arith.select %and3A_1104, %select_n3A_1074, %select_n3A_1072 : vector<8x128xi1>, vector<8x128xf32>
      %select_n3A_1106 = arith.select %and3A_1104, %select_n3A_1075, %select_n3A_1073 : vector<8x128xi1>, vector<8x128xi32>
      %select_n3A_1107 = arith.select %and3A_1104, %select_n3A_1076, %select_n3A_1074 : vector<8x128xi1>, vector<8x128xf32>
      %select_n3A_1108 = arith.select %and3A_1104, %select_n3A_1077, %select_n3A_1075 : vector<8x128xi1>, vector<8x128xi32>
      %select_n3A_1109 = arith.select %and3A_1104, %select_n3A_1078, %select_n3A_1076 : vector<8x128xi1>, vector<8x128xf32>
      %select_n3A_1110 = arith.select %and3A_1104, %select_n3A_1079, %select_n3A_1077 : vector<8x128xi1>, vector<8x128xi32>
      %select_n3A_1111 = arith.select %and3A_1104, %select_n3A_1080, %select_n3A_1078 : vector<8x128xi1>, vector<8x128xf32>
      %select_n3A_1112 = arith.select %and3A_1104, %select_n3A_1081, %select_n3A_1079 : vector<8x128xi1>, vector<8x128xi32>
      %select_n3A_1113 = arith.select %and3A_1104, %select_n3A_1082, %select_n3A_1080 : vector<8x128xi1>, vector<8x128xf32>
      %select_n3A_1114 = arith.select %and3A_1104, %select_n3A_1083, %select_n3A_1081 : vector<8x128xi1>, vector<8x128xi32>
      %reduce_min3A_1115 = arith.constant dense<0x7F800000> : vector<8xf32>
      %reduce_min3A_1116 = vector.multi_reduction <minimumf>, %select_n3A_1105, %reduce_min3A_1115 [1] : vector<8x128xf32> to vector<8xf32>
      %broadcast_in_dim3A_1117 = vector.shape_cast %reduce_min3A_1116 : vector<8xf32> to vector<8x1xf32>
      %eq3A_1118 = vector.broadcast %broadcast_in_dim3A_1117 : vector<8x1xf32> to vector<8x128xf32>
      %eq3A_1119 = arith.cmpf oeq, %select_n3A_1105, %eq3A_1118 : vector<8x128xf32>
      %broadcast_in_dim3A_1120 = vector.broadcast %scan3A : i32 to vector<8x128xi32>
      %select_n3A_1121 = arith.select %eq3A_1119, %select_n3A_1106, %broadcast_in_dim3A_1120 : vector<8x128xi1>, vector<8x128xi32>
      %reduce_min3A_1122 = arith.constant dense<2147483647> : vector<8xi32>
      %reduce_min3A_1123 = vector.multi_reduction <minsi>, %select_n3A_1121, %reduce_min3A_1122 [1] : vector<8x128xi32> to vector<8xi32>
      %broadcast_in_dim3A_1124 = vector.shape_cast %reduce_min3A_1123 : vector<8xi32> to vector<8x1xi32>
      %add3A_1125 = vector.broadcast %mul3A_28 : i32 to vector<8x1xi32>
      %add3A_1126 = arith.addi %broadcast_in_dim3A_1124, %add3A_1125 : vector<8x1xi32>
      %swap3A_1127 = arith.constant 0 : index
      %swap3A_1128 = arith.index_cast %mul3A_36 : i32 to index
      %swap3A_1129 = arith.constant 11 : index
      %swap3A_1130 = vector.load %arg5[%swap3A_1127, %swap3A_1128, %swap3A_1129] : memref<1x256x16xi32, #tpu.memory_space<vmem>>, vector<1x8x1xi32>
      %swap3A_1131 = vector.shape_cast %swap3A_1130 : vector<1x8x1xi32> to vector<8x1xi32>
      %swap3A_1132 = vector.shape_cast %add3A_1126 : vector<8x1xi32> to vector<1x8x1xi32>
      tpu.vector_store %arg5[%swap3A_1127, %swap3A_1128, %swap3A_1129], %swap3A_1132 {strides = array<i32>} : memref<1x256x16xi32, #tpu.memory_space<vmem>>, vector<1x8x1xi32>,
      %eq3A_1133 = vector.broadcast %broadcast_in_dim3A_1124 : vector<8x1xi32> to vector<8x128xi32>
      %eq3A_1134 = arith.cmpi eq, %select_n3A_1106, %eq3A_1133 : vector<8x128xi32>
      %and3A_1135 = arith.andi %eq3A_1119, %eq3A_1134 : vector<8x128xi1>
      %select_n3A_1136 = arith.select %and3A_1135, %select_n3A_1107, %select_n3A_1105 : vector<8x128xi1>, vector<8x128xf32>
      %select_n3A_1137 = arith.select %and3A_1135, %select_n3A_1108, %select_n3A_1106 : vector<8x128xi1>, vector<8x128xi32>
      %select_n3A_1138 = arith.select %and3A_1135, %select_n3A_1109, %select_n3A_1107 : vector<8x128xi1>, vector<8x128xf32>
      %select_n3A_1139 = arith.select %and3A_1135, %select_n3A_1110, %select_n3A_1108 : vector<8x128xi1>, vector<8x128xi32>
      %select_n3A_1140 = arith.select %and3A_1135, %select_n3A_1111, %select_n3A_1109 : vector<8x128xi1>, vector<8x128xf32>
      %select_n3A_1141 = arith.select %and3A_1135, %select_n3A_1112, %select_n3A_1110 : vector<8x128xi1>, vector<8x128xi32>
      %select_n3A_1142 = arith.select %and3A_1135, %select_n3A_1113, %select_n3A_1111 : vector<8x128xi1>, vector<8x128xf32>
      %select_n3A_1143 = arith.select %and3A_1135, %select_n3A_1114, %select_n3A_1112 : vector<8x128xi1>, vector<8x128xi32>
      %reduce_min3A_1144 = arith.constant dense<0x7F800000> : vector<8xf32>
      %reduce_min3A_1145 = vector.multi_reduction <minimumf>, %select_n3A_1136, %reduce_min3A_1144 [1] : vector<8x128xf32> to vector<8xf32>
      %broadcast_in_dim3A_1146 = vector.shape_cast %reduce_min3A_1145 : vector<8xf32> to vector<8x1xf32>
      %eq3A_1147 = vector.broadcast %broadcast_in_dim3A_1146 : vector<8x1xf32> to vector<8x128xf32>
      %eq3A_1148 = arith.cmpf oeq, %select_n3A_1136, %eq3A_1147 : vector<8x128xf32>
      %broadcast_in_dim3A_1149 = vector.broadcast %scan3A : i32 to vector<8x128xi32>
      %select_n3A_1150 = arith.select %eq3A_1148, %select_n3A_1137, %broadcast_in_dim3A_1149 : vector<8x128xi1>, vector<8x128xi32>
      %reduce_min3A_1151 = arith.constant dense<2147483647> : vector<8xi32>
      %reduce_min3A_1152 = vector.multi_reduction <minsi>, %select_n3A_1150, %reduce_min3A_1151 [1] : vector<8x128xi32> to vector<8xi32>
      %broadcast_in_dim3A_1153 = vector.shape_cast %reduce_min3A_1152 : vector<8xi32> to vector<8x1xi32>
      %add3A_1154 = vector.broadcast %mul3A_28 : i32 to vector<8x1xi32>
      %add3A_1155 = arith.addi %broadcast_in_dim3A_1153, %add3A_1154 : vector<8x1xi32>
      %swap3A_1156 = arith.constant 0 : index
      %swap3A_1157 = arith.index_cast %mul3A_36 : i32 to index
      %swap3A_1158 = arith.constant 12 : index
      %swap3A_1159 = vector.load %arg5[%swap3A_1156, %swap3A_1157, %swap3A_1158] : memref<1x256x16xi32, #tpu.memory_space<vmem>>, vector<1x8x1xi32>
      %swap3A_1160 = vector.shape_cast %swap3A_1159 : vector<1x8x1xi32> to vector<8x1xi32>
      %swap3A_1161 = vector.shape_cast %add3A_1155 : vector<8x1xi32> to vector<1x8x1xi32>
      tpu.vector_store %arg5[%swap3A_1156, %swap3A_1157, %swap3A_1158], %swap3A_1161 {strides = array<i32>} : memref<1x256x16xi32, #tpu.memory_space<vmem>>, vector<1x8x1xi32>,
      %eq3A_1162 = vector.broadcast %broadcast_in_dim3A_1153 : vector<8x1xi32> to vector<8x128xi32>
      %eq3A_1163 = arith.cmpi eq, %select_n3A_1137, %eq3A_1162 : vector<8x128xi32>
      %and3A_1164 = arith.andi %eq3A_1148, %eq3A_1163 : vector<8x128xi1>
      %select_n3A_1165 = arith.select %and3A_1164, %select_n3A_1138, %select_n3A_1136 : vector<8x128xi1>, vector<8x128xf32>
      %select_n3A_1166 = arith.select %and3A_1164, %select_n3A_1139, %select_n3A_1137 : vector<8x128xi1>, vector<8x128xi32>
      %select_n3A_1167 = arith.select %and3A_1164, %select_n3A_1140, %select_n3A_1138 : vector<8x128xi1>, vector<8x128xf32>
      %select_n3A_1168 = arith.select %and3A_1164, %select_n3A_1141, %select_n3A_1139 : vector<8x128xi1>, vector<8x128xi32>
      %select_n3A_1169 = arith.select %and3A_1164, %select_n3A_1142, %select_n3A_1140 : vector<8x128xi1>, vector<8x128xf32>
      %select_n3A_1170 = arith.select %and3A_1164, %select_n3A_1143, %select_n3A_1141 : vector<8x128xi1>, vector<8x128xi32>
      %reduce_min3A_1171 = arith.constant dense<0x7F800000> : vector<8xf32>
      %reduce_min3A_1172 = vector.multi_reduction <minimumf>, %select_n3A_1165, %reduce_min3A_1171 [1] : vector<8x128xf32> to vector<8xf32>
      %broadcast_in_dim3A_1173 = vector.shape_cast %reduce_min3A_1172 : vector<8xf32> to vector<8x1xf32>
      %eq3A_1174 = vector.broadcast %broadcast_in_dim3A_1173 : vector<8x1xf32> to vector<8x128xf32>
      %eq3A_1175 = arith.cmpf oeq, %select_n3A_1165, %eq3A_1174 : vector<8x128xf32>
      %broadcast_in_dim3A_1176 = vector.broadcast %scan3A : i32 to vector<8x128xi32>
      %select_n3A_1177 = arith.select %eq3A_1175, %select_n3A_1166, %broadcast_in_dim3A_1176 : vector<8x128xi1>, vector<8x128xi32>
      %reduce_min3A_1178 = arith.constant dense<2147483647> : vector<8xi32>
      %reduce_min3A_1179 = vector.multi_reduction <minsi>, %select_n3A_1177, %reduce_min3A_1178 [1] : vector<8x128xi32> to vector<8xi32>
      %broadcast_in_dim3A_1180 = vector.shape_cast %reduce_min3A_1179 : vector<8xi32> to vector<8x1xi32>
      %add3A_1181 = vector.broadcast %mul3A_28 : i32 to vector<8x1xi32>
      %add3A_1182 = arith.addi %broadcast_in_dim3A_1180, %add3A_1181 : vector<8x1xi32>
      %swap3A_1183 = arith.constant 0 : index
      %swap3A_1184 = arith.index_cast %mul3A_36 : i32 to index
      %swap3A_1185 = arith.constant 13 : index
      %swap3A_1186 = vector.load %arg5[%swap3A_1183, %swap3A_1184, %swap3A_1185] : memref<1x256x16xi32, #tpu.memory_space<vmem>>, vector<1x8x1xi32>
      %swap3A_1187 = vector.shape_cast %swap3A_1186 : vector<1x8x1xi32> to vector<8x1xi32>
      %swap3A_1188 = vector.shape_cast %add3A_1182 : vector<8x1xi32> to vector<1x8x1xi32>
      tpu.vector_store %arg5[%swap3A_1183, %swap3A_1184, %swap3A_1185], %swap3A_1188 {strides = array<i32>} : memref<1x256x16xi32, #tpu.memory_space<vmem>>, vector<1x8x1xi32>,
      %eq3A_1189 = vector.broadcast %broadcast_in_dim3A_1180 : vector<8x1xi32> to vector<8x128xi32>
      %eq3A_1190 = arith.cmpi eq, %select_n3A_1166, %eq3A_1189 : vector<8x128xi32>
      %and3A_1191 = arith.andi %eq3A_1175, %eq3A_1190 : vector<8x128xi1>
      %select_n3A_1192 = arith.select %and3A_1191, %select_n3A_1167, %select_n3A_1165 : vector<8x128xi1>, vector<8x128xf32>
      %select_n3A_1193 = arith.select %and3A_1191, %select_n3A_1168, %select_n3A_1166 : vector<8x128xi1>, vector<8x128xi32>
      %select_n3A_1194 = arith.select %and3A_1191, %select_n3A_1169, %select_n3A_1167 : vector<8x128xi1>, vector<8x128xf32>
      %select_n3A_1195 = arith.select %and3A_1191, %select_n3A_1170, %select_n3A_1168 : vector<8x128xi1>, vector<8x128xi32>
      %reduce_min3A_1196 = arith.constant dense<0x7F800000> : vector<8xf32>
      %reduce_min3A_1197 = vector.multi_reduction <minimumf>, %select_n3A_1192, %reduce_min3A_1196 [1] : vector<8x128xf32> to vector<8xf32>
      %broadcast_in_dim3A_1198 = vector.shape_cast %reduce_min3A_1197 : vector<8xf32> to vector<8x1xf32>
      %eq3A_1199 = vector.broadcast %broadcast_in_dim3A_1198 : vector<8x1xf32> to vector<8x128xf32>
      %eq3A_1200 = arith.cmpf oeq, %select_n3A_1192, %eq3A_1199 : vector<8x128xf32>
      %broadcast_in_dim3A_1201 = vector.broadcast %scan3A : i32 to vector<8x128xi32>
      %select_n3A_1202 = arith.select %eq3A_1200, %select_n3A_1193, %broadcast_in_dim3A_1201 : vector<8x128xi1>, vector<8x128xi32>
      %reduce_min3A_1203 = arith.constant dense<2147483647> : vector<8xi32>
      %reduce_min3A_1204 = vector.multi_reduction <minsi>, %select_n3A_1202, %reduce_min3A_1203 [1] : vector<8x128xi32> to vector<8xi32>
      %broadcast_in_dim3A_1205 = vector.shape_cast %reduce_min3A_1204 : vector<8xi32> to vector<8x1xi32>
      %add3A_1206 = vector.broadcast %mul3A_28 : i32 to vector<8x1xi32>
      %add3A_1207 = arith.addi %broadcast_in_dim3A_1205, %add3A_1206 : vector<8x1xi32>
      %swap3A_1208 = arith.constant 0 : index
      %swap3A_1209 = arith.index_cast %mul3A_36 : i32 to index
      %swap3A_1210 = arith.constant 14 : index
      %swap3A_1211 = vector.load %arg5[%swap3A_1208, %swap3A_1209, %swap3A_1210] : memref<1x256x16xi32, #tpu.memory_space<vmem>>, vector<1x8x1xi32>
      %swap3A_1212 = vector.shape_cast %swap3A_1211 : vector<1x8x1xi32> to vector<8x1xi32>
      %swap3A_1213 = vector.shape_cast %add3A_1207 : vector<8x1xi32> to vector<1x8x1xi32>
      tpu.vector_store %arg5[%swap3A_1208, %swap3A_1209, %swap3A_1210], %swap3A_1213 {strides = array<i32>} : memref<1x256x16xi32, #tpu.memory_space<vmem>>, vector<1x8x1xi32>,
      %eq3A_1214 = vector.broadcast %broadcast_in_dim3A_1205 : vector<8x1xi32> to vector<8x128xi32>
      %eq3A_1215 = arith.cmpi eq, %select_n3A_1193, %eq3A_1214 : vector<8x128xi32>
      %and3A_1216 = arith.andi %eq3A_1200, %eq3A_1215 : vector<8x128xi1>
      %select_n3A_1217 = arith.select %and3A_1216, %select_n3A_1194, %select_n3A_1192 : vector<8x128xi1>, vector<8x128xf32>
      %select_n3A_1218 = arith.select %and3A_1216, %select_n3A_1195, %select_n3A_1193 : vector<8x128xi1>, vector<8x128xi32>
      %reduce_min3A_1219 = arith.constant dense<0x7F800000> : vector<8xf32>
      %reduce_min3A_1220 = vector.multi_reduction <minimumf>, %select_n3A_1217, %reduce_min3A_1219 [1] : vector<8x128xf32> to vector<8xf32>
      %broadcast_in_dim3A_1221 = vector.shape_cast %reduce_min3A_1220 : vector<8xf32> to vector<8x1xf32>
      %eq3A_1222 = vector.broadcast %broadcast_in_dim3A_1221 : vector<8x1xf32> to vector<8x128xf32>
      %eq3A_1223 = arith.cmpf oeq, %select_n3A_1217, %eq3A_1222 : vector<8x128xf32>
      %broadcast_in_dim3A_1224 = vector.broadcast %scan3A : i32 to vector<8x128xi32>
      %select_n3A_1225 = arith.select %eq3A_1223, %select_n3A_1218, %broadcast_in_dim3A_1224 : vector<8x128xi1>, vector<8x128xi32>
      %reduce_min3A_1226 = arith.constant dense<2147483647> : vector<8xi32>
      %reduce_min3A_1227 = vector.multi_reduction <minsi>, %select_n3A_1225, %reduce_min3A_1226 [1] : vector<8x128xi32> to vector<8xi32>
      %broadcast_in_dim3A_1228 = vector.shape_cast %reduce_min3A_1227 : vector<8xi32> to vector<8x1xi32>
      %add3A_1229 = vector.broadcast %mul3A_28 : i32 to vector<8x1xi32>
      %add3A_1230 = arith.addi %broadcast_in_dim3A_1228, %add3A_1229 : vector<8x1xi32>
      %swap3A_1231 = arith.constant 0 : index
      %swap3A_1232 = arith.index_cast %mul3A_36 : i32 to index
      %swap3A_1233 = arith.constant 15 : index
      %swap3A_1234 = vector.load %arg5[%swap3A_1231, %swap3A_1232, %swap3A_1233] : memref<1x256x16xi32, #tpu.memory_space<vmem>>, vector<1x8x1xi32>
      %swap3A_1235 = vector.shape_cast %swap3A_1234 : vector<1x8x1xi32> to vector<8x1xi32>
      %swap3A_1236 = vector.shape_cast %add3A_1230 : vector<8x1xi32> to vector<1x8x1xi32>
      tpu.vector_store %arg5[%swap3A_1231, %swap3A_1232, %swap3A_1233], %swap3A_1236 {strides = array<i32>} : memref<1x256x16xi32, #tpu.memory_space<vmem>>, vector<1x8x1xi32>,
    }
    %scan3A_33 = arith.constant 32 : i32
    return
  }
  func.func @transform_0(%arg0: i32, %arg1: i32) -> (i32, i32, i32) {
    %c0_i32 = arith.constant 0 : i32
    %c0_i32_0 = arith.constant 0 : i32
    return %arg0, %arg1, %c0_i32 : i32, i32, i32
  }
  func.func @transform_1(%arg0: i32, %arg1: i32) -> (i32, i32, i32) {
    %c0_i32 = arith.constant 0 : i32
    %c0_i32_0 = arith.constant 0 : i32
    %c0_i32_1 = arith.constant 0 : i32
    return %arg0, %c0_i32, %c0_i32_0 : i32, i32, i32
  }
  func.func @transform_2(%arg0: i32, %arg1: i32) -> (i32, i32, i32) {
    %c0_i32 = arith.constant 0 : i32
    %c0_i32_0 = arith.constant 0 : i32
    %c0_i32_1 = arith.constant 0 : i32
    return %arg0, %c0_i32, %c0_i32_0 : i32, i32, i32
  }
  func.func @transform_3(%arg0: i32, %arg1: i32) -> (i32, i32, i32) {
    %c0_i32 = arith.constant 0 : i32
    %c0_i32_0 = arith.constant 0 : i32
    return %arg0, %arg1, %c0_i32 : i32, i32, i32
  }
}

</mosaic_0001>

<sc_bundles>
// kernel: kernel.4.cloned.1.call-start
scs
__scs_entry_jumppad:
0x0: {  	(pc) =	sbr.rel $0x88, $3  }
0x1: {  	(tag) =	ssettag $0x0;
	lr =	simm.s32 $0x1  }
0x2: {  	[smem:$0x3F9F] =	sst lr;
	_ =	strace $0xD0000000  }
0x3: {  	_ = 	snop  }
0x4: {  	_ = 	snop  }
0x5: {  	_ = 	snop  }
0x6: {  	_ = 	snop  }
0x7: {  	_ = 	snop  }
__scs_overlays_trampoline_lowered:
0x8: {  	[smem:$0x3FAE] =	sst s0  }
0x9: {  	[smem:$0x3FAF] =	sst s1  }
0xa: {  	[smem:$0x3FB0] =	sst s2  }
0xb: {  	[smem:$0x3FB1] =	sst s3  }
0xc: {  	[smem:$0x3FB2] =	sst s4  }
0xd: {  	[smem:$0x3FB3] =	sst s5  }
0xe: {  	[smem:$0x3FB4] =	sst s6  }
0xf: {  	[smem:$0x3FB5] =	sst s7  }
0x10: {  	[smem:$0x3FB6] =	sst s8  }
0x11: {  	[smem:$0x3FB7] =	sst s9;
	s0 =	simm.s32 @!p0 $0x0  }
0x12: {  	s1 =	sld [smem:$0x3F9D];
	s0 =	simm.s32 @p0 $0x1  }
0x13: {  	[smem:$0x3FB8] =	sst s0;
	s0 =	simm.s32 @!p1 $0x0  }
0x14: {  	s2 =	sld [smem:$0x3F9C];
	s0 =	simm.s32 @p1 $0x1  }
0x15: {  	[smem:$0x3FB9] =	sst s0;
	s0 =	simm.s32 @!p2 $0x0  }
0x16: {  	s3 =	sld [smem:$0x3FDB];
	s0 =	simm.s32 @p2 $0x1  }
0x17: {  	s4 =	simm.s32 $0x1BF5;
	[smem:$0x3FBB] =	sst s0  }
0x18: {  	s0 =	sld [smem:$0x3F9E];
	_ =	swait.ge [sflag:s4], $0x0  }
0x19: {  	s7 =	sld [smem:$0x3F9F]  }
0x1a: {  	s8 =	sadd.s32 $0xFFFFE003, lr  }
0x1b: {  	s9 =	sadd.s32 $0xFFFFFEF7, lr;
	s5 =	simm.s32 $0xFFFFFFFF;
	p2 =	slt.u32 s8, $0xFFFFF086  }
0x1c: {  	p1 =	slt.u32 s9, $0xF7A;
	s5 =	simm.s32 @!p2 $0x0  }
0x1d: {  	s5 =	simm.s32 @p1 $0x1;
	p0 =	seq.s32 s7, s2  }
0x1e: {  	s7 =	smul.u32 @!p0 $0xF7A, s2;
	p2 =	seq.s32 @!p0 s5, $0x0  }
0x1f: {  	s9 =	smul.u32 $0xF7A, s1;
	s8 =	simm.s32 @!p0 $0x1BF5;
	p2 =	por !p2, p0  }
0x20: {  	[sflag:s8] =	ssyncset.s32 @!p0 $0xFFFFF086;
	s6 =	sadd.s32 @!p0 s3, s7;
	s7 =	simm.s32 @!p0 $0x108  }
0x21: {  	s3 =	sadd.s32 s3, s9;
	s6 =	sadd.s32 @!p0 $0x88, s6;
	s7 =	simm.s32 @p2 $0x1082  }
0x22: {  	[simem:s7], [sflag:s8] =	dma.local @!p0 [hbm:s6], $0xF7A  }
0x23: {  	s9 =	sor.u32 $0xD0000000, s2;
	s6 =	simm.s32 $0x108;
	_ =	swait.ge @!p0 [sflag:s8], $0x0  }
0x24: {  	s3 =	sadd.s32 $0x88, s3;
	s6 =	simm.s32 @!p1 $0x1082;
	[sflag:s4] =	ssyncset.s32 $0xFFFFF086  }
0x25: {  	[simem:s6], [sflag:s4] =	dma.local [hbm:s3], $0xF7A  }
0x26: {  	[smem:$0x3F9F] =	sst s1;
	(tag) =	ssettag s2;
	_ =	strace s9  }
0x27: {  	s1 =	sld [smem:$0x3FAF]  }
0x28: {  	s2 =	sld [smem:$0x3FB0]  }
0x29: {  	s4 =	sld [smem:$0x3FB2]  }
0x2a: {  	p0 =	seq.s32 s5, $0x0;
	s5 =	sld [smem:$0x3FB3]  }
0x2b: {  	s6 =	sld [smem:$0x3FB4]  }
0x2c: {  	s7 =	sld [smem:$0x3FB5]  }
0x2d: {  	s3 =	simm.s32 $0x108;
	s8 =	sld [smem:$0x3FB6]  }
0x2e: {  	s3 =	simm.s32 @!p0 $0x1082;
	s9 =	sld [smem:$0x3FB7]  }
0x2f: {  	lr =	sadd.s32 s0, s3;
	s0 =	sld [smem:$0x3FAE]  }
0x30: {  	s3 =	sld [smem:$0x3FB1]  }
0x31: {  	[smem:$0x3FBA] =	sst s10  }
0x32: {  	s10 =	sld [smem:$0x3FB8];
	_ =	sdelay $0x3  }
0x33: {  	p0 =	seq.s32 s10, $0x1;
	s10 =	sld [smem:$0x3FBA];
	_ =	sdelay $0x3  }
0x34: {  	[smem:$0x3FBA] =	sst s10  }
0x35: {  	s10 =	sld [smem:$0x3FB9];
	_ =	sdelay $0x3  }
0x36: {  	p1 =	seq.s32 s10, $0x1;
	s10 =	sld [smem:$0x3FBA];
	_ =	sdelay $0x3  }
0x37: {  	[smem:$0x3FBA] =	sst s10  }
0x38: {  	s10 =	sld [smem:$0x3FBB]  }
0x39: {  	_ = 	snop;
	(pc) =	sbr.ind lr, $3  }
0x3a: {  	_ = 	snop  }
0x3b: {  	_ = 	snop  }
0x3c: {  	p2 =	seq.s32 s10, $0x1;
	s10 =	sld [smem:$0x3FBA]  }
0x3d: {  	_ =	shalt  }
0x3e: {  	_ =	shalt  }
0x3f: {  	_ =	shalt  }
0x40: {  	_ =	shalt  }
0x41: {  	_ =	shalt  }
0x42: {  	_ =	shalt  }
0x43: {  	_ =	shalt  }
0x44: {  	_ =	shalt  }
0x45: {  	_ =	shalt  }
0x46: {  	_ =	shalt  }
0x47: {  	_ =	shalt  }
0x48: {  	_ =	shalt  }
0x49: {  	_ =	shalt  }
0x4a: {  	_ =	shalt  }
0x4b: {  	_ =	shalt  }
0x4c: {  	_ =	shalt  }
0x4d: {  	_ =	shalt  }
0x4e: {  	_ =	shalt  }
0x4f: {  	_ =	shalt  }
0x50: {  	_ =	shalt  }
0x51: {  	_ =	shalt  }
0x52: {  	_ =	shalt  }
0x53: {  	_ =	shalt  }
0x54: {  	_ =	shalt  }
0x55: {  	_ =	shalt  }
0x56: {  	_ =	shalt  }
0x57: {  	_ =	shalt  }
0x58: {  	_ =	shalt  }
0x59: {  	_ =	shalt  }
0x5a: {  	_ =	shalt  }
0x5b: {  	_ =	shalt  }
0x5c: {  	_ =	shalt  }
0x5d: {  	_ =	shalt  }
0x5e: {  	_ =	shalt  }
0x5f: {  	_ =	shalt  }
0x60: {  	_ =	shalt  }
0x61: {  	_ =	shalt  }
0x62: {  	_ =	shalt  }
0x63: {  	_ =	shalt  }
0x64: {  	_ =	shalt  }
0x65: {  	_ =	shalt  }
0x66: {  	_ =	shalt  }
0x67: {  	_ =	shalt  }
0x68: {  	_ =	shalt  }
0x69: {  	_ =	shalt  }
0x6a: {  	_ =	shalt  }
0x6b: {  	_ =	shalt  }
0x6c: {  	_ =	shalt  }
0x6d: {  	_ =	shalt  }
0x6e: {  	_ =	shalt  }
0x6f: {  	_ =	shalt  }
0x70: {  	_ =	shalt  }
0x71: {  	_ =	shalt  }
0x72: {  	_ =	shalt  }
0x73: {  	_ =	shalt  }
0x74: {  	_ =	shalt  }
0x75: {  	_ =	shalt  }
0x76: {  	_ =	shalt  }
0x77: {  	_ =	shalt  }
0x78: {  	_ =	shalt  }
0x79: {  	_ =	shalt  }
0x7a: {  	_ =	shalt  }
0x7b: {  	_ =	shalt  }
0x7c: {  	_ =	shalt  }
0x7d: {  	_ =	shalt  }
0x7e: {  	_ =	shalt  }
0x7f: {  	_ =	shalt  }
0x80: {  	_ =	shalt  }
0x81: {  	_ =	shalt  }
0x82: {  	_ =	shalt  }
0x83: {  	_ =	shalt  }
0x84: {  	_ =	shalt  }
0x85: {  	_ =	shalt  }
0x86: {  	_ =	shalt  }
0x87: {  	_ =	shalt  }
.Lfunc_end0:
.L_simem_size_0:
called_computation_lowered:
.L_overlay_start_0:
0x88: {  	s2 =	sld [smem:$0x3FD9]  }
0x89: {  	s3 =	sld [smem:$0x3FFE];
	_ =	sdelay $0x1  }
0x8a: {  	s1 =	srdreg.scid  }
0x8b: {  	s0 =	sand.u32 $0x1, s1  }
0x8c: {  	s17 =	sshll.u32 s0, $0xA;
	s2 =	sadd.s32 s3, s2  }
0x8d: {  	s2 =	sadd.s32 s2, s17  }
0x8e: {  	[smem:$0x3FC6] =	sst s2  }
0x8f: {  	_ = 	snop  }
0x90: {  	s2 =	sld [smem:$0x3FC8]  }
0x91: {  	s18 =	sld [smem:$0x3FD0];
	(tm) =	ssettm $0x1  }
0x92: {  	s4 =	sld [smem:$0x3FFB];
	_ =	sdelay $0x3  }
0x93: {  	_ =	strace s4  }
0x94: {  	s4 =	sld [smem:$0x3FFC];
	_ =	sdelay $0x3  }
0x95: {  	_ =	strace s4  }
0x96: {  	s4 =	sld [smem:$0x3FFD];
	_ =	sdelay $0x3  }
0x97: {  	_ =	strace s4  }
0x98: {  	_ =	strace $0x8FFFFFFF  }
0x99: {  	s19 =	sld [smem:$0x3FDB];
	_ =	sdelay $0x1  }
0x9a: {  	s5 =	simm.s32 $_scs_section_size  }
0x9b: {  	s6 =	simm.s32 $_size__tile_overlayer_lowered;
	s7 =	simm.s32 $_tile_overlayer_lowered  }
0x9c: {  	s22 =	simm.s32 $0x1BFF;
	s21 =	sshll.u32 s7, $0x1;
	s4 =	sadd.s32 s5, s19  }
0x9d: {  	s8 =	simm.s32 $0x0;
	s20 =	sshll.u32 s6, $0x1;
	s6 =	sadd.s32 s21, s4  }
0x9e: {  	[timem:s8], [sflag:s22] =	dma.local [hbm:s6], s20  }
0x9f: {  	_ =	swait.ge [sflag:s22], s20  }
0xa0: {  	s5 =	ssub.s32 $0x0, s20;
	[sflag:s22] =	ssyncset.done $0x0  }
0xa1: {  	[sflag:s22] =	ssyncadd.s32 s5;
	_ =	sdelay $0x1  }
0xa2: {  	s23 =	simm.s32 $0x1B8B  }
0xa3: {  	_ =	swait.ge [sflag:s23], $0x1  }
0xa4: {  	[sflag:s23] =	ssyncset.done $0x0  }
0xa5: {  	s25 =	simm.s32 $0x1B8E;
	s24 =	sld [smem:$0x3FFE];
	[sflag:s23] =	ssyncadd.s32 $0xFFFFFFFF  }
0xa6: {  	s26 =	simm.s32 $execute0_lowered;
	[smem:$0x3FD2] =	sst s25  }
0xa7: {  	s6 =	sshll.u32 s26, $0x1;
	_ =	strace $0x80000046;
	[dreg:$0x1] =	wrdreg $0xFFFFFFFF  }
0xa8: {  	s28 =	simm.s32 $_size_execute0_lowered;
	s4 =	sadd.s32 s4, s6;
	[dreg:$0x0] =	wrdreg $0x0  }
0xa9: {  	s6 =	sshll.u32 s28, $0x1;
	[dreg:$0x2] =	wrdreg s4  }
0xaa: {  	[dreg:$0x3] =	wrdreg s6  }
0xab: {  	[dreg:$0x4] =	wrdreg $0xC0  }
0xac: {  	_ =	task [dreg:s8], $0x5FFFF  }
0xad: {  	[dreg:$0x1] =	wrdreg $0xFFFFFFFF  }
0xae: {  	[dreg:$0x0] =	wrdreg $0x60  }
0xaf: {  	[dreg:$0x2] =	wrdreg s2  }
0xb0: {  	[dreg:$0x3] =	wrdreg s24  }
0xb1: {  	[dreg:$0x4] =	wrdreg s18  }
0xb2: {  	[dreg:$0x5] =	wrdreg $0x9  }
0xb3: {  	_ =	task.clear_ibuf [dreg:s8], $0x6FFFF;
	_ =	strace $0x90000046  }
0xb4: {  	s29 =	simm.s32 $0x9;
	_ =	strace $0x80000048  }
0xb5: {  	_ =	swait.ge [sflag:s29], $0x1  }
0xb6: {  	[sflag:s29] =	ssyncadd.s32 $0xFFFFFFFF  }
0xb7: {  	_ =	strace $0x90000048  }
0xb8: {  	_ =	sfence  }
0xb9: {  	s30 =	sld [smem:$0x0];
	_ =	sdelay $0x2  }
0xba: {  	s31 =	sshll.u32 s1, $0xD;
	s1 =	sshrl.u32 s1, $0x2  }
0xbb: {  	s3 =	sand.u32 $0x4000, s31;
	s1 =	sadd.s32 s1, s30  }
0xbc: {  	s0 =	sor.u32 s3, s0;
	s1 =	sshll.u32 s1, $0x11  }
0xbd: {  	s0 =	sor.u32 s1, s0  }
0xbe: {  	s0 =	sadd.s32 $0x8F2B, s0  }
0xbf: {  	[sflag:s0] =	ssyncadd.remote.s32 $0x1  }
0xc0: {  	_ =	sfence.sel $0xFFFF  }
0xc1: {  	[dreg:$0x0] =	wrdreg $0xFFFFFFFF;
	(pc) =	sbr.abs _section_cstart, $3  }
0xc2: {  	[dreg:$0x1] =	wrdreg $0xFFFFFFFF  }
0xc3: {  	_ =	task.clear_ibuf [dreg:s8], $0x2FFFF;
	_ =	strace $0x9FFFFFFF  }
0xc4: {  	(tm) =	ssettm $0x7FFFFFFF  }
0xc5: {  	_ =	shalt  }
tec
execute0_lowered:
.L_overlay_start_1:
0x0: {  	(tag) =	ssettag $0x1  }
0x1: {  	s1 =	rddreg [dreg:$0x0]  }
0x2: {  	s4 =	rddreg [dreg:$0x1]  }
0x3: {  	s5 =	rddreg [dreg:$0x2]  }
0x4: {  	s0 =	rddreg [dreg:$0x3];
	s3 =	simm.s32 $0x0;
	s6 =	srdreg.scid  }
0x5: {  	s2 =	stileid.u32;
	s10 =	simm.s32 $0x1;
	s11 =	simm.s32 $0x6000  }
0x6: {  	s12 =	simm.s32 $0x2;
	s13 =	simm.s32 $0x0;
	[smem:$0x7FF] =	sst s3  }
0x7: {  	s6 =	sand.u32 $0x1, s6;
	s7 =	sshll.u32 s2, $0xB;
	s31 =	sshll.u32 s2, $0x12  }
0x8: {  	s8 =	sshll.u32 s6, $0xA;
	s9 =	ssub.s32 $0x2, s6;
	_ =	strace $0x80000047  }
0x9: {  	s6 =	sshll.u32 s6, $0x11;
	s7 =	sor.u32 s8, s7;
	s29 =	sshrl.u32 s9, $0x1  }
0xa: {  	s8 =	sadd.s32 s31, s5;
	s4 =	sadd.s32 s7, s4;
	s30 =	ssub.s32 s9, s29  }
0xb: {  	s6 =	sadd.s32 s6, s8;
	s7 =	simm.s32 $0x3;
	s8 =	simm.s32 $0x80  }
0xc: {  	s9 =	simm.s32 $0x2000;
	s4 =	sadd.s32 $0x600, s4;
	s5 =	smax.u32 s30, $0x1  }
.LBB2_1:
0xd: {  	[tilespmem:s3], [sflag:$0x3] =	stream.linear.gather [hbm4b:s4+s3], $0x2000, $0x38;
	[tilespmem:$0xA000] =	vst v63  }
0xe: {  	_ =	swait.ge [sflag:s7], $0x2000  }
0xf: {  	[sflag:s7] =	ssyncset.done $0x0  }
0x10: {  	s14 =	simm.s32 $0x0;
	[sflag:s7] =	ssyncadd.s32 $0xFFFFE000  }
0x11: {  	[tilespmem:s9], [sflag:$0x1] =	stream.indirect.gather [hbm4b:s1+s8], $0x80, s14, s8, $0xb8;
	[tilespmem:$0xA000] =	vst v63  }
0x12: {  	_ =	swait.ge [sflag:s10], $0x4000  }
0x13: {  	[sflag:s10] =	ssyncset.done $0x0  }
0x14: {  	[sflag:s10] =	ssyncadd.s32 $0xFFFFC000  }
0x15: {  	[hbm4b:s6+s3] =	stream.linear.scatter [tilespmem:s9], [sflag:$0x3], $0x4000, $0x38;
	[tilespmem:$0xA000] =	vst v63  }
0x16: {  	_ =	swait.ge [sflag:s7], $0x4000  }
0x17: {  	[sflag:s7] =	ssyncset.done $0x0  }
0x18: {  	s30 =	simm.s32 $0x80;
	[sflag:s7] =	ssyncadd.s32 $0xFFFFC000  }
0x19: {  	[tilespmem:s11], [sflag:$0x2] =	stream.indirect.gather [hbm4b:s1+s8], $0x80, s30, s8, $0xb8;
	[tilespmem:$0xA000] =	vst v63  }
0x1a: {  	_ =	swait.ge [sflag:s12], $0x4000  }
0x1b: {  	[sflag:s12] =	ssyncset.done $0x0  }
0x1c: {  	s31 =	sadd.s32 $0x800, s6;
	[sflag:s12] =	ssyncadd.s32 $0xFFFFC000  }
0x1d: {  	[hbm4b:s31+s3] =	stream.linear.scatter [tilespmem:s11], [sflag:$0x3], $0x4000, $0x38;
	[tilespmem:$0xA000] =	vst v63  }
0x1e: {  	s15 =	simm.s32 $0x400;
	_ =	swait.ge [sflag:s7], $0x4000  }
0x1f: {  	s16 =	simm.s32 $0x800;
	s14 =	sadd.s32 $0x1000, s6;
	[sflag:s7] =	ssyncset.done $0x0  }
.LBB2_2:
0x20: {  	s17 =	sshra.s32 s15, $0x2  }
0x21: {  	[sflag:s7] =	ssyncadd.s32 $0xFFFFC000;
	s15 =	smov.u32 s16;
	s18 =	sadd.s32 $0x400, s16  }
0x22: {  	[tilespmem:s9], [sflag:$0x1] =	stream.indirect.gather [hbm4b:s1+s8], $0x80, s17, s8, $0xb8;
	[tilespmem:$0xA000] =	vst v63  }
0x23: {  	p0 =	sne.s32 s16, $0x7C00;
	_ =	swait.ge [sflag:s10], $0x4000  }
0x24: {  	[sflag:s10] =	ssyncset.done $0x0  }
0x25: {  	[sflag:s10] =	ssyncadd.s32 $0xFFFFC000  }
0x26: {  	[hbm4b:s14+s3] =	stream.linear.scatter [tilespmem:s9], [sflag:$0x3], $0x4000, $0x38;
	[tilespmem:$0xA000] =	vst v63  }
0x27: {  	_ =	swait.ge [sflag:s7], $0x4000  }
0x28: {  	[sflag:s7] =	ssyncset.done $0x0  }
0x29: {  	s16 =	sadd.s32 $0x80, s17;
	[sflag:s7] =	ssyncadd.s32 $0xFFFFC000  }
0x2a: {  	[tilespmem:s11], [sflag:$0x2] =	stream.indirect.gather [hbm4b:s1+s8], $0x80, s16, s8, $0xb8;
	[tilespmem:$0xA000] =	vst v63  }
0x2b: {  	_ =	swait.ge [sflag:s12], $0x4000  }
.Ltmp0:
0x2c: {  	[sflag:s12] =	ssyncset.done $0x0;
	(pc) =	sbr.rel @p0 .LBB2_2-.Ltmp0, $4  }
0x2d: {  	s16 =	sadd.s32 $0x800, s14;
	[sflag:s12] =	ssyncadd.s32 $0xFFFFC000  }
0x2e: {  	[hbm4b:s16+s3] =	stream.linear.scatter [tilespmem:s11], [sflag:$0x3], $0x4000, $0x38;
	[tilespmem:$0xA000] =	vst v63  }
0x2f: {  	_ =	swait.ge [sflag:s7], $0x4000  }
0x30: {  	s14 =	sadd.s32 $0x1000, s14;
	s16 =	smov.u32 s18;
	[sflag:s7] =	ssyncset.done $0x0  }
0x31: {  	s15 =	sshra.s32 s15, $0x2;
	[sflag:s7] =	ssyncadd.s32 $0xFFFFC000  }
0x32: {  	[tilespmem:s9], [sflag:$0x1] =	stream.indirect.gather [hbm4b:s1+s8], $0x80, s15, s8, $0xb8;
	[tilespmem:$0xA000] =	vst v63  }
0x33: {  	_ =	swait.ge [sflag:s10], $0x4000  }
0x34: {  	[sflag:s10] =	ssyncset.done $0x0  }
0x35: {  	[sflag:s10] =	ssyncadd.s32 $0xFFFFC000  }
0x36: {  	[hbm4b:s14+s3] =	stream.linear.scatter [tilespmem:s9], [sflag:$0x3], $0x4000, $0x38;
	[tilespmem:$0xA000] =	vst v63  }
0x37: {  	_ =	swait.ge [sflag:s7], $0x4000  }
0x38: {  	[sflag:s7] =	ssyncset.done $0x0  }
0x39: {  	s15 =	sadd.s32 $0x80, s15;
	[sflag:s7] =	ssyncadd.s32 $0xFFFFC000  }
0x3a: {  	[tilespmem:s11], [sflag:$0x2] =	stream.indirect.gather [hbm4b:s1+s8], $0x80, s15, s8, $0xb8;
	[tilespmem:$0xA000] =	vst v63  }
0x3b: {  	s13 =	sadd.s32 $0x1, s13;
	_ =	swait.ge [sflag:s12], $0x4000  }
0x3c: {  	p0 =	sne.s32 s13, s5;
	[sflag:s12] =	ssyncset.done $0x0  }
.Ltmp1:
0x3d: {  	s31 =	sadd.s32 $0x800, s14;
	[sflag:s12] =	ssyncadd.s32 $0xFFFFC000;
	(pc) =	sbr.rel @p0 .LBB2_1-.Ltmp1, $4  }
0x3e: {  	[hbm4b:s31+s3] =	stream.linear.scatter [tilespmem:s11], [sflag:$0x3], $0x4000, $0x38;
	[tilespmem:$0xA000] =	vst v63  }
0x3f: {  	_ =	swait.ge [sflag:s7], $0x4000  }
0x40: {  	[sflag:s7] =	ssyncset.done $0x0  }
0x41: {  	[sflag:s7] =	ssyncadd.s32 $0xFFFFC000  }
0x42: {  	_ =	sfence.sel $0x180000  }
0x43: {  	[bflag:$0x0] =	sbarrier.arrive $0xFFFF  }
0x44: {  	p0 =	sne.s32 s2, $0x0;
	_ =	strace $0x90000047  }
0x45: {  	s0 =	sadd.s32 @!p0 $0x100000, s0;
	[bflag:$0x2] =	sbarrier.arrive $0xFFFF  }
0x46: {  	[sflag:s0] =	ssyncadd.tile.s32 @!p0 $0x1;
	_ =	shalt  }
.Lfunc_end2:
_tile_overlayer_lowered:
.L_overlay_start_2:
0x47: {  	(tag) =	ssettag $0x2  }
0x48: {  	s0 =	rddreg [dreg:$0x0];
	s2 =	stileid.u32  }
0x49: {  	s1 =	rddreg [dreg:$0x1];
	p0 =	sne.s32 s2, $0x0  }
0x4a: {  	s3 =	rddreg [dreg:$0x2];
	[bflag:$0x3] =	sbarrier.arrive $0xFFFF;
	s2 =	simm.s32 @!p0 $0x1C03  }
0x4b: {  	[timem:s3], [sflag:s2] =	dma.local @!p0 [hbm:s0], s1  }
0x4c: {  	s0 =	simm.s32 @!p0 $0x3  }
0x4d: {  	_ =	swait.ge @!p0 [sflag:s0], s1  }
0x4e: {  	s1 =	ssub.s32 @!p0 $0x0, s1;
	[sflag:s0] =	ssyncset.done @!p0 $0x0  }
0x4f: {  	[sflag:s0] =	ssyncadd.s32 @!p0 s1  }
0x50: {  	[bflag:$0x3] =	sbarrier.arrive $0xFFFF  }
0x51: {  	_ =	shalt  }

</sc_bundles>
